<compile_context>
chip_gen: v7x
topology: tpu7x:2x2x1
jax: 0.10.2.dev20260603
libtpu: 0.0.44.dev20260713+nightly
codegen_flags: <defaults>
</compile_context>

<pallas_src>
import numpy as np
import jax
import jax.numpy as jnp
from jax.experimental import pallas as pl
from jax.experimental.pallas import tpu as pltpu

_RADIUS = 16
_TAU = 2.0
_T = 128
_NUM_SHIFTS = _RADIUS + 1
_K = 2 * _RADIUS + 1
_RB = 128


def _build_shift_filter_matrix():
    a = 1.0 - 1.0 / _TAU
    b = 1.0 / _TAU
    t = np.arange(_T)
    diff = t[:, None] - t[None, :]
    A = np.where(diff >= 0, b * np.power(a, np.maximum(diff, 0)), 0.0)
    mats = []
    for s in range(_NUM_SHIFTS):
        cols = (np.arange(_T) + s) % _T
        mats.append(A[:, cols])
    return np.concatenate(mats, axis=0).astype(np.float32)


_BALL = _build_shift_filter_matrix()
_BASE0 = np.maximum(np.arange(_K) - _RADIUS, 0)
_BASE1 = np.maximum(_RADIUS - np.arange(_K), 0)


def _body(x_ref, ball_ref, out_ref):
    ball = ball_ref[...]
    fs, mm, fm = [], [], []
    for i in range(2):
        X = x_ref[i]
        fs_i = jnp.dot(ball, X.astype(jnp.bfloat16),
                       preferred_element_type=jnp.float32)
        mx = jnp.max(X, axis=0, keepdims=True)
        ti = jax.lax.broadcasted_iota(jnp.int32, X.shape, 0)
        am = jnp.min(jnp.where(X == mx, ti, _T), axis=0, keepdims=True)
        mm_i = jnp.minimum(_T - 1 - am, _RADIUS)
        acc = fs_i[0:_T, :]
        for s in range(1, _NUM_SHIFTS):
            acc = jnp.where(mm_i == s, fs_i[s * _T:(s + 1) * _T, :], acc)
        fs.append(fs_i)
        mm.append(mm_i)
        fm.append(acc)
    for k in range(_K):
        b0 = int(_BASE0[k])
        b1 = int(_BASE1[k])
        p0 = jnp.where(b0 <= mm[0], fs[0][b0 * _T:(b0 + 1) * _T, :], fm[0])
        p1 = jnp.where(b1 <= mm[1], fs[1][b1 * _T:(b1 + 1) * _T, :], fm[1])
        out_ref[k] = p0 + p1


def kernel(input, _delay, weight):
    T, N, C, DI = input.shape
    NC = N * C
    xr = jnp.transpose(input, (3, 0, 1, 2)).reshape(DI, T, NC)
    ball_w = (jnp.asarray(_BALL) *
              weight.astype(jnp.float32)).astype(jnp.bfloat16)
    out = pl.pallas_call(
        _body,
        grid=(NC // _RB,),
        in_specs=[
            pl.BlockSpec((DI, T, _RB), lambda g: (0, 0, g)),
            pl.BlockSpec((_NUM_SHIFTS * _T, _T), lambda g: (0, 0)),
        ],
        out_specs=pl.BlockSpec((_K, T, _RB), lambda g: (0, 0, g)),
        out_shape=jax.ShapeDtypeStruct((_K, T, NC), jnp.float32),
        compiler_params=pltpu.CompilerParams(
            dimension_semantics=("parallel",)),
    )(xr, ball_w)
    return jnp.transpose(out, (1, 2, 0)).reshape(T, N, C, _K)

# --- scband reference (transcript-rebuilt; emitter-appended) ---
"""Pipeline reference for scband-jeffress-linear-73452530696744 (READ-ONLY COPY).

The authoritative reference and input builder live on the scoring server;
editing this copy changes nothing except your own understanding.
"""

import jax, jax.numpy as jnp
import numpy as np

RADIUS = 16
TAU = 2.0

def setup_inputs(seed: int = 0) -> dict:
    key = jax.random.key(seed)
    x = jax.random.uniform(jax.random.fold_in(key, 0), (128, 32, 64, 2), dtype=jnp.float32)
    _delay = jnp.arange(-RADIUS, RADIUS + 1, dtype=jnp.float32).reshape(-1, 1)  # (33, 1)
    weight = jnp.float32(6.53543197272069)
    return {"input": x, "_delay": _delay, "weight": weight}

def _lif_filter(x, tau=TAU):
    # First-order leaky integrator over time axis 0: v[t] = v[t-1] + (x[t] - v[t-1]) / tau
    def step(v, xt):
        v = v + (xt - v) / tau
        return v, v
    v0 = jnp.zeros_like(x[0])
    _, ys = jax.lax.scan(step, v0, x)
    return ys

def _forward(input, _delay, weight):
    D_out = _delay.shape[0]
    # (T, N, C, 2) -> (T, N, C, D_out, 2)
    out = jnp.repeat(input[..., None, :], D_out, axis=-2)
    T, N, C, D_out, D_in = out.shape
    # delay property: cat([_delay, -_delay], dim=1).relu() -> (D_out, 2)
    delay = jax.nn.relu(jnp.concatenate([_delay, -_delay], axis=1))
    # StochasticDelay.forward
    latent = jnp.broadcast_to(delay[None, None, ...], (N, C, D_out, D_in))
    floored = jnp.floor(latent)
    p = latent - floored
    bern = jax.random.bernoulli(jax.random.key(42), p)
    rounded = jnp.where(bern, floored + 1.0, floored)
    max_allowed = (T - 1 - jnp.argmax(out, axis=0)).astype(jnp.float32)
    rounded = jnp.minimum(rounded, max_allowed)
    rounded = jax.lax.stop_gradient(rounded).astype(jnp.int32)
    # _shift_vec: gather along time with (t - delay) % T
    mat = jnp.arange(T, dtype=jnp.int32).reshape(T, 1, 1, 1, 1)
    idx = (mat - rounded[None, ...]) % T
    shifted = jnp.take_along_axis(out, idx, axis=0)
    # synapse filter + weight + sum over in_features (=2)
    filt = _lif_filter(shifted)
    y = filt * weight
    y = jnp.sum(y, axis=-1)  # (T, N, C, D_out)
    return y

def reference(input, _delay, weight):
    return _forward(input, _delay, weight)

if __name__ == "__main__":
    import jax
    _d = setup_inputs()
    print(jax.jit(kernel)(*tuple(_d.values())))

</pallas_src>

<mosaic_0001>
module attributes {stable_mosaic.version = 14 : i64} {
  func.func @_body(%arg0: i32, %arg1: memref<2x128x128xf32, #tpu.memory_space<vmem>>, %arg2: memref<2176x128xbf16, #tpu.memory_space<vmem>>, %arg3: memref<33x128x128xf32, #tpu.memory_space<vmem>>) attributes {dimension_semantics = [#tpu.dimension_semantics<parallel>], iteration_bounds = array<i64: 16>, scalar_prefetch = 0 : i64, scratch_operands = 0 : i64, tpu.core_type = #tpu.core_type<tc>, window_params = [{transform_indices = @transform_0, window_bounds = array<i64: 2, 128, 128>}, {pipeline_mode = #tpu.pipeline_mode<synchronous>, transform_indices = @transform_1, window_bounds = array<i64: 2176, 128>}, {transform_indices = @transform_2, window_bounds = array<i64: 33, 128, 128>}]} {
    %get3A = arith.constant 0 : index
    %get3A_0 = arith.constant 0 : index
    %get3A_1 = vector.load %arg2[%get3A, %get3A_0] : memref<2176x128xbf16, #tpu.memory_space<vmem>>, vector<2176x128xbf16>
    %get3A_2 = arith.constant 0 : index
    %get3A_3 = arith.constant 0 : index
    %get3A_4 = arith.constant 0 : index
    %get3A_5 = vector.load %arg1[%get3A_2, %get3A_3, %get3A_4] : memref<2x128x128xf32, #tpu.memory_space<vmem>>, vector<1x128x128xf32>
    %get3A_6 = vector.shape_cast %get3A_5 : vector<1x128x128xf32> to vector<128x128xf32>
    %convert_element_type3A = arith.truncf %get3A_6 : vector<128x128xf32> to vector<128x128xbf16>
    %dot_general3A = arith.constant dense<0.000000e+00> : vector<2176x128xf32>
    %dot_general3A_7 = tpu.matmul %get3A_1, %convert_element_type3A, %dot_general3A {dimension_numbers = #tpu.dot_dimension_numbers<[1], [0], [0], [1], [0, 0, 1, 1], [], []>, transpose_lhs_hint = false} : vector<2176x128xbf16>, vector<128x128xbf16>, vector<2176x128xf32> -> vector<2176x128xf32>
    %reduce_max3A = arith.constant dense<0xFF800000> : vector<128xf32>
    %reduce_max3A_8 = vector.multi_reduction <maximumf>, %get3A_6, %reduce_max3A [0] : vector<128x128xf32> to vector<128xf32>
    %broadcast_in_dim3A = vector.shape_cast %reduce_max3A_8 : vector<128xf32> to vector<1x128xf32>
    %iota3A = tpu.iota {dimensions = array<i32: 0>} : vector<128x128xi32>
    %eq3A = vector.broadcast %broadcast_in_dim3A : vector<1x128xf32> to vector<128x128xf32>
    %eq3A_9 = arith.cmpf oeq, %get3A_6, %eq3A : vector<128x128xf32>
    %jit3A = arith.constant 128 : i32
    %broadcast_in_dim3A_10 = vector.broadcast %jit3A : i32 to vector<128x128xi32>
    %select_n3A = arith.select %eq3A_9, %iota3A, %broadcast_in_dim3A_10 : vector<128x128xi1>, vector<128x128xi32>
    %reduce_min3A = arith.constant dense<2147483647> : vector<128xi32>
    %reduce_min3A_11 = vector.multi_reduction <minsi>, %select_n3A, %reduce_min3A [0] : vector<128x128xi32> to vector<128xi32>
    %broadcast_in_dim3A_12 = vector.shape_cast %reduce_min3A_11 : vector<128xi32> to vector<1x128xi32>
    %sub3A = arith.constant 127 : i32
    %sub3A_13 = vector.broadcast %sub3A : i32 to vector<1x128xi32>
    %sub3A_14 = arith.subi %sub3A_13, %broadcast_in_dim3A_12 : vector<1x128xi32>
    %min3A = arith.constant 16 : i32
    %min3A_15 = vector.broadcast %min3A : i32 to vector<1x128xi32>
    %min3A_16 = arith.minsi %sub3A_14, %min3A_15 : vector<1x128xi32>
    %slice3A = vector.extract_strided_slice %dot_general3A_7 {offsets = [0, 0], sizes = [128, 128], strides = [1, 1]} : vector<2176x128xf32> to vector<128x128xf32>
    %eq3A_17 = arith.constant 1 : i32
    %eq3A_18 = vector.broadcast %eq3A_17 : i32 to vector<1x128xi32>
    %eq3A_19 = arith.cmpi eq, %min3A_16, %eq3A_18 : vector<1x128xi32>
    %slice3A_20 = vector.extract_strided_slice %dot_general3A_7 {offsets = [128, 0], sizes = [128, 128], strides = [1, 1]} : vector<2176x128xf32> to vector<128x128xf32>
    %broadcast_in_dim3A_21 = vector.shape_cast %eq3A_19 : vector<1x128xi1> to vector<1x128xi1>
    %broadcast_in_dim3A_22 = vector.broadcast %broadcast_in_dim3A_21 : vector<1x128xi1> to vector<128x128xi1>
    %select_n3A_23 = arith.select %broadcast_in_dim3A_22, %slice3A_20, %slice3A : vector<128x128xi1>, vector<128x128xf32>
    %eq3A_24 = arith.constant 2 : i32
    %eq3A_25 = vector.broadcast %eq3A_24 : i32 to vector<1x128xi32>
    %eq3A_26 = arith.cmpi eq, %min3A_16, %eq3A_25 : vector<1x128xi32>
    %slice3A_27 = vector.extract_strided_slice %dot_general3A_7 {offsets = [256, 0], sizes = [128, 128], strides = [1, 1]} : vector<2176x128xf32> to vector<128x128xf32>
    %broadcast_in_dim3A_28 = vector.shape_cast %eq3A_26 : vector<1x128xi1> to vector<1x128xi1>
    %broadcast_in_dim3A_29 = vector.broadcast %broadcast_in_dim3A_28 : vector<1x128xi1> to vector<128x128xi1>
    %select_n3A_30 = arith.select %broadcast_in_dim3A_29, %slice3A_27, %select_n3A_23 : vector<128x128xi1>, vector<128x128xf32>
    %eq3A_31 = arith.constant 3 : i32
    %eq3A_32 = vector.broadcast %eq3A_31 : i32 to vector<1x128xi32>
    %eq3A_33 = arith.cmpi eq, %min3A_16, %eq3A_32 : vector<1x128xi32>
    %slice3A_34 = vector.extract_strided_slice %dot_general3A_7 {offsets = [384, 0], sizes = [128, 128], strides = [1, 1]} : vector<2176x128xf32> to vector<128x128xf32>
    %broadcast_in_dim3A_35 = vector.shape_cast %eq3A_33 : vector<1x128xi1> to vector<1x128xi1>
    %broadcast_in_dim3A_36 = vector.broadcast %broadcast_in_dim3A_35 : vector<1x128xi1> to vector<128x128xi1>
    %select_n3A_37 = arith.select %broadcast_in_dim3A_36, %slice3A_34, %select_n3A_30 : vector<128x128xi1>, vector<128x128xf32>
    %eq3A_38 = arith.constant 4 : i32
    %eq3A_39 = vector.broadcast %eq3A_38 : i32 to vector<1x128xi32>
    %eq3A_40 = arith.cmpi eq, %min3A_16, %eq3A_39 : vector<1x128xi32>
    %slice3A_41 = vector.extract_strided_slice %dot_general3A_7 {offsets = [512, 0], sizes = [128, 128], strides = [1, 1]} : vector<2176x128xf32> to vector<128x128xf32>
    %broadcast_in_dim3A_42 = vector.shape_cast %eq3A_40 : vector<1x128xi1> to vector<1x128xi1>
    %broadcast_in_dim3A_43 = vector.broadcast %broadcast_in_dim3A_42 : vector<1x128xi1> to vector<128x128xi1>
    %select_n3A_44 = arith.select %broadcast_in_dim3A_43, %slice3A_41, %select_n3A_37 : vector<128x128xi1>, vector<128x128xf32>
    %eq3A_45 = arith.constant 5 : i32
    %eq3A_46 = vector.broadcast %eq3A_45 : i32 to vector<1x128xi32>
    %eq3A_47 = arith.cmpi eq, %min3A_16, %eq3A_46 : vector<1x128xi32>
    %slice3A_48 = vector.extract_strided_slice %dot_general3A_7 {offsets = [640, 0], sizes = [128, 128], strides = [1, 1]} : vector<2176x128xf32> to vector<128x128xf32>
    %broadcast_in_dim3A_49 = vector.shape_cast %eq3A_47 : vector<1x128xi1> to vector<1x128xi1>
    %broadcast_in_dim3A_50 = vector.broadcast %broadcast_in_dim3A_49 : vector<1x128xi1> to vector<128x128xi1>
    %select_n3A_51 = arith.select %broadcast_in_dim3A_50, %slice3A_48, %select_n3A_44 : vector<128x128xi1>, vector<128x128xf32>
    %eq3A_52 = arith.constant 6 : i32
    %eq3A_53 = vector.broadcast %eq3A_52 : i32 to vector<1x128xi32>
    %eq3A_54 = arith.cmpi eq, %min3A_16, %eq3A_53 : vector<1x128xi32>
    %slice3A_55 = vector.extract_strided_slice %dot_general3A_7 {offsets = [768, 0], sizes = [128, 128], strides = [1, 1]} : vector<2176x128xf32> to vector<128x128xf32>
    %broadcast_in_dim3A_56 = vector.shape_cast %eq3A_54 : vector<1x128xi1> to vector<1x128xi1>
    %broadcast_in_dim3A_57 = vector.broadcast %broadcast_in_dim3A_56 : vector<1x128xi1> to vector<128x128xi1>
    %select_n3A_58 = arith.select %broadcast_in_dim3A_57, %slice3A_55, %select_n3A_51 : vector<128x128xi1>, vector<128x128xf32>
    %eq3A_59 = arith.constant 7 : i32
    %eq3A_60 = vector.broadcast %eq3A_59 : i32 to vector<1x128xi32>
    %eq3A_61 = arith.cmpi eq, %min3A_16, %eq3A_60 : vector<1x128xi32>
    %slice3A_62 = vector.extract_strided_slice %dot_general3A_7 {offsets = [896, 0], sizes = [128, 128], strides = [1, 1]} : vector<2176x128xf32> to vector<128x128xf32>
    %broadcast_in_dim3A_63 = vector.shape_cast %eq3A_61 : vector<1x128xi1> to vector<1x128xi1>
    %broadcast_in_dim3A_64 = vector.broadcast %broadcast_in_dim3A_63 : vector<1x128xi1> to vector<128x128xi1>
    %select_n3A_65 = arith.select %broadcast_in_dim3A_64, %slice3A_62, %select_n3A_58 : vector<128x128xi1>, vector<128x128xf32>
    %eq3A_66 = arith.constant 8 : i32
    %eq3A_67 = vector.broadcast %eq3A_66 : i32 to vector<1x128xi32>
    %eq3A_68 = arith.cmpi eq, %min3A_16, %eq3A_67 : vector<1x128xi32>
    %slice3A_69 = vector.extract_strided_slice %dot_general3A_7 {offsets = [1024, 0], sizes = [128, 128], strides = [1, 1]} : vector<2176x128xf32> to vector<128x128xf32>
    %broadcast_in_dim3A_70 = vector.shape_cast %eq3A_68 : vector<1x128xi1> to vector<1x128xi1>
    %broadcast_in_dim3A_71 = vector.broadcast %broadcast_in_dim3A_70 : vector<1x128xi1> to vector<128x128xi1>
    %select_n3A_72 = arith.select %broadcast_in_dim3A_71, %slice3A_69, %select_n3A_65 : vector<128x128xi1>, vector<128x128xf32>
    %eq3A_73 = arith.constant 9 : i32
    %eq3A_74 = vector.broadcast %eq3A_73 : i32 to vector<1x128xi32>
    %eq3A_75 = arith.cmpi eq, %min3A_16, %eq3A_74 : vector<1x128xi32>
    %slice3A_76 = vector.extract_strided_slice %dot_general3A_7 {offsets = [1152, 0], sizes = [128, 128], strides = [1, 1]} : vector<2176x128xf32> to vector<128x128xf32>
    %broadcast_in_dim3A_77 = vector.shape_cast %eq3A_75 : vector<1x128xi1> to vector<1x128xi1>
    %broadcast_in_dim3A_78 = vector.broadcast %broadcast_in_dim3A_77 : vector<1x128xi1> to vector<128x128xi1>
    %select_n3A_79 = arith.select %broadcast_in_dim3A_78, %slice3A_76, %select_n3A_72 : vector<128x128xi1>, vector<128x128xf32>
    %eq3A_80 = arith.constant 10 : i32
    %eq3A_81 = vector.broadcast %eq3A_80 : i32 to vector<1x128xi32>
    %eq3A_82 = arith.cmpi eq, %min3A_16, %eq3A_81 : vector<1x128xi32>
    %slice3A_83 = vector.extract_strided_slice %dot_general3A_7 {offsets = [1280, 0], sizes = [128, 128], strides = [1, 1]} : vector<2176x128xf32> to vector<128x128xf32>
    %broadcast_in_dim3A_84 = vector.shape_cast %eq3A_82 : vector<1x128xi1> to vector<1x128xi1>
    %broadcast_in_dim3A_85 = vector.broadcast %broadcast_in_dim3A_84 : vector<1x128xi1> to vector<128x128xi1>
    %select_n3A_86 = arith.select %broadcast_in_dim3A_85, %slice3A_83, %select_n3A_79 : vector<128x128xi1>, vector<128x128xf32>
    %eq3A_87 = arith.constant 11 : i32
    %eq3A_88 = vector.broadcast %eq3A_87 : i32 to vector<1x128xi32>
    %eq3A_89 = arith.cmpi eq, %min3A_16, %eq3A_88 : vector<1x128xi32>
    %slice3A_90 = vector.extract_strided_slice %dot_general3A_7 {offsets = [1408, 0], sizes = [128, 128], strides = [1, 1]} : vector<2176x128xf32> to vector<128x128xf32>
    %broadcast_in_dim3A_91 = vector.shape_cast %eq3A_89 : vector<1x128xi1> to vector<1x128xi1>
    %broadcast_in_dim3A_92 = vector.broadcast %broadcast_in_dim3A_91 : vector<1x128xi1> to vector<128x128xi1>
    %select_n3A_93 = arith.select %broadcast_in_dim3A_92, %slice3A_90, %select_n3A_86 : vector<128x128xi1>, vector<128x128xf32>
    %eq3A_94 = arith.constant 12 : i32
    %eq3A_95 = vector.broadcast %eq3A_94 : i32 to vector<1x128xi32>
    %eq3A_96 = arith.cmpi eq, %min3A_16, %eq3A_95 : vector<1x128xi32>
    %slice3A_97 = vector.extract_strided_slice %dot_general3A_7 {offsets = [1536, 0], sizes = [128, 128], strides = [1, 1]} : vector<2176x128xf32> to vector<128x128xf32>
    %broadcast_in_dim3A_98 = vector.shape_cast %eq3A_96 : vector<1x128xi1> to vector<1x128xi1>
    %broadcast_in_dim3A_99 = vector.broadcast %broadcast_in_dim3A_98 : vector<1x128xi1> to vector<128x128xi1>
    %select_n3A_100 = arith.select %broadcast_in_dim3A_99, %slice3A_97, %select_n3A_93 : vector<128x128xi1>, vector<128x128xf32>
    %eq3A_101 = arith.constant 13 : i32
    %eq3A_102 = vector.broadcast %eq3A_101 : i32 to vector<1x128xi32>
    %eq3A_103 = arith.cmpi eq, %min3A_16, %eq3A_102 : vector<1x128xi32>
    %slice3A_104 = vector.extract_strided_slice %dot_general3A_7 {offsets = [1664, 0], sizes = [128, 128], strides = [1, 1]} : vector<2176x128xf32> to vector<128x128xf32>
    %broadcast_in_dim3A_105 = vector.shape_cast %eq3A_103 : vector<1x128xi1> to vector<1x128xi1>
    %broadcast_in_dim3A_106 = vector.broadcast %broadcast_in_dim3A_105 : vector<1x128xi1> to vector<128x128xi1>
    %select_n3A_107 = arith.select %broadcast_in_dim3A_106, %slice3A_104, %select_n3A_100 : vector<128x128xi1>, vector<128x128xf32>
    %eq3A_108 = arith.constant 14 : i32
    %eq3A_109 = vector.broadcast %eq3A_108 : i32 to vector<1x128xi32>
    %eq3A_110 = arith.cmpi eq, %min3A_16, %eq3A_109 : vector<1x128xi32>
    %slice3A_111 = vector.extract_strided_slice %dot_general3A_7 {offsets = [1792, 0], sizes = [128, 128], strides = [1, 1]} : vector<2176x128xf32> to vector<128x128xf32>
    %broadcast_in_dim3A_112 = vector.shape_cast %eq3A_110 : vector<1x128xi1> to vector<1x128xi1>
    %broadcast_in_dim3A_113 = vector.broadcast %broadcast_in_dim3A_112 : vector<1x128xi1> to vector<128x128xi1>
    %select_n3A_114 = arith.select %broadcast_in_dim3A_113, %slice3A_111, %select_n3A_107 : vector<128x128xi1>, vector<128x128xf32>
    %eq3A_115 = arith.constant 15 : i32
    %eq3A_116 = vector.broadcast %eq3A_115 : i32 to vector<1x128xi32>
    %eq3A_117 = arith.cmpi eq, %min3A_16, %eq3A_116 : vector<1x128xi32>
    %slice3A_118 = vector.extract_strided_slice %dot_general3A_7 {offsets = [1920, 0], sizes = [128, 128], strides = [1, 1]} : vector<2176x128xf32> to vector<128x128xf32>
    %broadcast_in_dim3A_119 = vector.shape_cast %eq3A_117 : vector<1x128xi1> to vector<1x128xi1>
    %broadcast_in_dim3A_120 = vector.broadcast %broadcast_in_dim3A_119 : vector<1x128xi1> to vector<128x128xi1>
    %select_n3A_121 = arith.select %broadcast_in_dim3A_120, %slice3A_118, %select_n3A_114 : vector<128x128xi1>, vector<128x128xf32>
    %eq3A_122 = arith.constant 16 : i32
    %eq3A_123 = vector.broadcast %eq3A_122 : i32 to vector<1x128xi32>
    %eq3A_124 = arith.cmpi eq, %min3A_16, %eq3A_123 : vector<1x128xi32>
    %slice3A_125 = vector.extract_strided_slice %dot_general3A_7 {offsets = [2048, 0], sizes = [128, 128], strides = [1, 1]} : vector<2176x128xf32> to vector<128x128xf32>
    %broadcast_in_dim3A_126 = vector.shape_cast %eq3A_124 : vector<1x128xi1> to vector<1x128xi1>
    %broadcast_in_dim3A_127 = vector.broadcast %broadcast_in_dim3A_126 : vector<1x128xi1> to vector<128x128xi1>
    %select_n3A_128 = arith.select %broadcast_in_dim3A_127, %slice3A_125, %select_n3A_121 : vector<128x128xi1>, vector<128x128xf32>
    %get3A_129 = arith.constant 1 : index
    %get3A_130 = arith.constant 0 : index
    %get3A_131 = arith.constant 0 : index
    %get3A_132 = vector.load %arg1[%get3A_129, %get3A_130, %get3A_131] : memref<2x128x128xf32, #tpu.memory_space<vmem>>, vector<1x128x128xf32>
    %get3A_133 = vector.shape_cast %get3A_132 : vector<1x128x128xf32> to vector<128x128xf32>
    %convert_element_type3A_134 = arith.truncf %get3A_133 : vector<128x128xf32> to vector<128x128xbf16>
    %dot_general3A_135 = arith.constant dense<0.000000e+00> : vector<2176x128xf32>
    %dot_general3A_136 = tpu.matmul %get3A_1, %convert_element_type3A_134, %dot_general3A_135 {dimension_numbers = #tpu.dot_dimension_numbers<[1], [0], [0], [1], [0, 0, 1, 1], [], []>, transpose_lhs_hint = false} : vector<2176x128xbf16>, vector<128x128xbf16>, vector<2176x128xf32> -> vector<2176x128xf32>
    %reduce_max3A_137 = arith.constant dense<0xFF800000> : vector<128xf32>
    %reduce_max3A_138 = vector.multi_reduction <maximumf>, %get3A_133, %reduce_max3A_137 [0] : vector<128x128xf32> to vector<128xf32>
    %broadcast_in_dim3A_139 = vector.shape_cast %reduce_max3A_138 : vector<128xf32> to vector<1x128xf32>
    %iota3A_140 = tpu.iota {dimensions = array<i32: 0>} : vector<128x128xi32>
    %eq3A_141 = vector.broadcast %broadcast_in_dim3A_139 : vector<1x128xf32> to vector<128x128xf32>
    %eq3A_142 = arith.cmpf oeq, %get3A_133, %eq3A_141 : vector<128x128xf32>
    %jit3A_143 = arith.constant 128 : i32
    %broadcast_in_dim3A_144 = vector.broadcast %jit3A_143 : i32 to vector<128x128xi32>
    %select_n3A_145 = arith.select %eq3A_142, %iota3A_140, %broadcast_in_dim3A_144 : vector<128x128xi1>, vector<128x128xi32>
    %reduce_min3A_146 = arith.constant dense<2147483647> : vector<128xi32>
    %reduce_min3A_147 = vector.multi_reduction <minsi>, %select_n3A_145, %reduce_min3A_146 [0] : vector<128x128xi32> to vector<128xi32>
    %broadcast_in_dim3A_148 = vector.shape_cast %reduce_min3A_147 : vector<128xi32> to vector<1x128xi32>
    %sub3A_149 = arith.constant 127 : i32
    %sub3A_150 = vector.broadcast %sub3A_149 : i32 to vector<1x128xi32>
    %sub3A_151 = arith.subi %sub3A_150, %broadcast_in_dim3A_148 : vector<1x128xi32>
    %min3A_152 = arith.constant 16 : i32
    %min3A_153 = vector.broadcast %min3A_152 : i32 to vector<1x128xi32>
    %min3A_154 = arith.minsi %sub3A_151, %min3A_153 : vector<1x128xi32>
    %slice3A_155 = vector.extract_strided_slice %dot_general3A_136 {offsets = [0, 0], sizes = [128, 128], strides = [1, 1]} : vector<2176x128xf32> to vector<128x128xf32>
    %eq3A_156 = arith.constant 1 : i32
    %eq3A_157 = vector.broadcast %eq3A_156 : i32 to vector<1x128xi32>
    %eq3A_158 = arith.cmpi eq, %min3A_154, %eq3A_157 : vector<1x128xi32>
    %slice3A_159 = vector.extract_strided_slice %dot_general3A_136 {offsets = [128, 0], sizes = [128, 128], strides = [1, 1]} : vector<2176x128xf32> to vector<128x128xf32>
    %broadcast_in_dim3A_160 = vector.shape_cast %eq3A_158 : vector<1x128xi1> to vector<1x128xi1>
    %broadcast_in_dim3A_161 = vector.broadcast %broadcast_in_dim3A_160 : vector<1x128xi1> to vector<128x128xi1>
    %select_n3A_162 = arith.select %broadcast_in_dim3A_161, %slice3A_159, %slice3A_155 : vector<128x128xi1>, vector<128x128xf32>
    %eq3A_163 = arith.constant 2 : i32
    %eq3A_164 = vector.broadcast %eq3A_163 : i32 to vector<1x128xi32>
    %eq3A_165 = arith.cmpi eq, %min3A_154, %eq3A_164 : vector<1x128xi32>
    %slice3A_166 = vector.extract_strided_slice %dot_general3A_136 {offsets = [256, 0], sizes = [128, 128], strides = [1, 1]} : vector<2176x128xf32> to vector<128x128xf32>
    %broadcast_in_dim3A_167 = vector.shape_cast %eq3A_165 : vector<1x128xi1> to vector<1x128xi1>
    %broadcast_in_dim3A_168 = vector.broadcast %broadcast_in_dim3A_167 : vector<1x128xi1> to vector<128x128xi1>
    %select_n3A_169 = arith.select %broadcast_in_dim3A_168, %slice3A_166, %select_n3A_162 : vector<128x128xi1>, vector<128x128xf32>
    %eq3A_170 = arith.constant 3 : i32
    %eq3A_171 = vector.broadcast %eq3A_170 : i32 to vector<1x128xi32>
    %eq3A_172 = arith.cmpi eq, %min3A_154, %eq3A_171 : vector<1x128xi32>
    %slice3A_173 = vector.extract_strided_slice %dot_general3A_136 {offsets = [384, 0], sizes = [128, 128], strides = [1, 1]} : vector<2176x128xf32> to vector<128x128xf32>
    %broadcast_in_dim3A_174 = vector.shape_cast %eq3A_172 : vector<1x128xi1> to vector<1x128xi1>
    %broadcast_in_dim3A_175 = vector.broadcast %broadcast_in_dim3A_174 : vector<1x128xi1> to vector<128x128xi1>
    %select_n3A_176 = arith.select %broadcast_in_dim3A_175, %slice3A_173, %select_n3A_169 : vector<128x128xi1>, vector<128x128xf32>
    %eq3A_177 = arith.constant 4 : i32
    %eq3A_178 = vector.broadcast %eq3A_177 : i32 to vector<1x128xi32>
    %eq3A_179 = arith.cmpi eq, %min3A_154, %eq3A_178 : vector<1x128xi32>
    %slice3A_180 = vector.extract_strided_slice %dot_general3A_136 {offsets = [512, 0], sizes = [128, 128], strides = [1, 1]} : vector<2176x128xf32> to vector<128x128xf32>
    %broadcast_in_dim3A_181 = vector.shape_cast %eq3A_179 : vector<1x128xi1> to vector<1x128xi1>
    %broadcast_in_dim3A_182 = vector.broadcast %broadcast_in_dim3A_181 : vector<1x128xi1> to vector<128x128xi1>
    %select_n3A_183 = arith.select %broadcast_in_dim3A_182, %slice3A_180, %select_n3A_176 : vector<128x128xi1>, vector<128x128xf32>
    %eq3A_184 = arith.constant 5 : i32
    %eq3A_185 = vector.broadcast %eq3A_184 : i32 to vector<1x128xi32>
    %eq3A_186 = arith.cmpi eq, %min3A_154, %eq3A_185 : vector<1x128xi32>
    %slice3A_187 = vector.extract_strided_slice %dot_general3A_136 {offsets = [640, 0], sizes = [128, 128], strides = [1, 1]} : vector<2176x128xf32> to vector<128x128xf32>
    %broadcast_in_dim3A_188 = vector.shape_cast %eq3A_186 : vector<1x128xi1> to vector<1x128xi1>
    %broadcast_in_dim3A_189 = vector.broadcast %broadcast_in_dim3A_188 : vector<1x128xi1> to vector<128x128xi1>
    %select_n3A_190 = arith.select %broadcast_in_dim3A_189, %slice3A_187, %select_n3A_183 : vector<128x128xi1>, vector<128x128xf32>
    %eq3A_191 = arith.constant 6 : i32
    %eq3A_192 = vector.broadcast %eq3A_191 : i32 to vector<1x128xi32>
    %eq3A_193 = arith.cmpi eq, %min3A_154, %eq3A_192 : vector<1x128xi32>
    %slice3A_194 = vector.extract_strided_slice %dot_general3A_136 {offsets = [768, 0], sizes = [128, 128], strides = [1, 1]} : vector<2176x128xf32> to vector<128x128xf32>
    %broadcast_in_dim3A_195 = vector.shape_cast %eq3A_193 : vector<1x128xi1> to vector<1x128xi1>
    %broadcast_in_dim3A_196 = vector.broadcast %broadcast_in_dim3A_195 : vector<1x128xi1> to vector<128x128xi1>
    %select_n3A_197 = arith.select %broadcast_in_dim3A_196, %slice3A_194, %select_n3A_190 : vector<128x128xi1>, vector<128x128xf32>
    %eq3A_198 = arith.constant 7 : i32
    %eq3A_199 = vector.broadcast %eq3A_198 : i32 to vector<1x128xi32>
    %eq3A_200 = arith.cmpi eq, %min3A_154, %eq3A_199 : vector<1x128xi32>
    %slice3A_201 = vector.extract_strided_slice %dot_general3A_136 {offsets = [896, 0], sizes = [128, 128], strides = [1, 1]} : vector<2176x128xf32> to vector<128x128xf32>
    %broadcast_in_dim3A_202 = vector.shape_cast %eq3A_200 : vector<1x128xi1> to vector<1x128xi1>
    %broadcast_in_dim3A_203 = vector.broadcast %broadcast_in_dim3A_202 : vector<1x128xi1> to vector<128x128xi1>
    %select_n3A_204 = arith.select %broadcast_in_dim3A_203, %slice3A_201, %select_n3A_197 : vector<128x128xi1>, vector<128x128xf32>
    %eq3A_205 = arith.constant 8 : i32
    %eq3A_206 = vector.broadcast %eq3A_205 : i32 to vector<1x128xi32>
    %eq3A_207 = arith.cmpi eq, %min3A_154, %eq3A_206 : vector<1x128xi32>
    %slice3A_208 = vector.extract_strided_slice %dot_general3A_136 {offsets = [1024, 0], sizes = [128, 128], strides = [1, 1]} : vector<2176x128xf32> to vector<128x128xf32>
    %broadcast_in_dim3A_209 = vector.shape_cast %eq3A_207 : vector<1x128xi1> to vector<1x128xi1>
    %broadcast_in_dim3A_210 = vector.broadcast %broadcast_in_dim3A_209 : vector<1x128xi1> to vector<128x128xi1>
    %select_n3A_211 = arith.select %broadcast_in_dim3A_210, %slice3A_208, %select_n3A_204 : vector<128x128xi1>, vector<128x128xf32>
    %eq3A_212 = arith.constant 9 : i32
    %eq3A_213 = vector.broadcast %eq3A_212 : i32 to vector<1x128xi32>
    %eq3A_214 = arith.cmpi eq, %min3A_154, %eq3A_213 : vector<1x128xi32>
    %slice3A_215 = vector.extract_strided_slice %dot_general3A_136 {offsets = [1152, 0], sizes = [128, 128], strides = [1, 1]} : vector<2176x128xf32> to vector<128x128xf32>
    %broadcast_in_dim3A_216 = vector.shape_cast %eq3A_214 : vector<1x128xi1> to vector<1x128xi1>
    %broadcast_in_dim3A_217 = vector.broadcast %broadcast_in_dim3A_216 : vector<1x128xi1> to vector<128x128xi1>
    %select_n3A_218 = arith.select %broadcast_in_dim3A_217, %slice3A_215, %select_n3A_211 : vector<128x128xi1>, vector<128x128xf32>
    %eq3A_219 = arith.constant 10 : i32
    %eq3A_220 = vector.broadcast %eq3A_219 : i32 to vector<1x128xi32>
    %eq3A_221 = arith.cmpi eq, %min3A_154, %eq3A_220 : vector<1x128xi32>
    %slice3A_222 = vector.extract_strided_slice %dot_general3A_136 {offsets = [1280, 0], sizes = [128, 128], strides = [1, 1]} : vector<2176x128xf32> to vector<128x128xf32>
    %broadcast_in_dim3A_223 = vector.shape_cast %eq3A_221 : vector<1x128xi1> to vector<1x128xi1>
    %broadcast_in_dim3A_224 = vector.broadcast %broadcast_in_dim3A_223 : vector<1x128xi1> to vector<128x128xi1>
    %select_n3A_225 = arith.select %broadcast_in_dim3A_224, %slice3A_222, %select_n3A_218 : vector<128x128xi1>, vector<128x128xf32>
    %eq3A_226 = arith.constant 11 : i32
    %eq3A_227 = vector.broadcast %eq3A_226 : i32 to vector<1x128xi32>
    %eq3A_228 = arith.cmpi eq, %min3A_154, %eq3A_227 : vector<1x128xi32>
    %slice3A_229 = vector.extract_strided_slice %dot_general3A_136 {offsets = [1408, 0], sizes = [128, 128], strides = [1, 1]} : vector<2176x128xf32> to vector<128x128xf32>
    %broadcast_in_dim3A_230 = vector.shape_cast %eq3A_228 : vector<1x128xi1> to vector<1x128xi1>
    %broadcast_in_dim3A_231 = vector.broadcast %broadcast_in_dim3A_230 : vector<1x128xi1> to vector<128x128xi1>
    %select_n3A_232 = arith.select %broadcast_in_dim3A_231, %slice3A_229, %select_n3A_225 : vector<128x128xi1>, vector<128x128xf32>
    %eq3A_233 = arith.constant 12 : i32
    %eq3A_234 = vector.broadcast %eq3A_233 : i32 to vector<1x128xi32>
    %eq3A_235 = arith.cmpi eq, %min3A_154, %eq3A_234 : vector<1x128xi32>
    %slice3A_236 = vector.extract_strided_slice %dot_general3A_136 {offsets = [1536, 0], sizes = [128, 128], strides = [1, 1]} : vector<2176x128xf32> to vector<128x128xf32>
    %broadcast_in_dim3A_237 = vector.shape_cast %eq3A_235 : vector<1x128xi1> to vector<1x128xi1>
    %broadcast_in_dim3A_238 = vector.broadcast %broadcast_in_dim3A_237 : vector<1x128xi1> to vector<128x128xi1>
    %select_n3A_239 = arith.select %broadcast_in_dim3A_238, %slice3A_236, %select_n3A_232 : vector<128x128xi1>, vector<128x128xf32>
    %eq3A_240 = arith.constant 13 : i32
    %eq3A_241 = vector.broadcast %eq3A_240 : i32 to vector<1x128xi32>
    %eq3A_242 = arith.cmpi eq, %min3A_154, %eq3A_241 : vector<1x128xi32>
    %slice3A_243 = vector.extract_strided_slice %dot_general3A_136 {offsets = [1664, 0], sizes = [128, 128], strides = [1, 1]} : vector<2176x128xf32> to vector<128x128xf32>
    %broadcast_in_dim3A_244 = vector.shape_cast %eq3A_242 : vector<1x128xi1> to vector<1x128xi1>
    %broadcast_in_dim3A_245 = vector.broadcast %broadcast_in_dim3A_244 : vector<1x128xi1> to vector<128x128xi1>
    %select_n3A_246 = arith.select %broadcast_in_dim3A_245, %slice3A_243, %select_n3A_239 : vector<128x128xi1>, vector<128x128xf32>
    %eq3A_247 = arith.constant 14 : i32
    %eq3A_248 = vector.broadcast %eq3A_247 : i32 to vector<1x128xi32>
    %eq3A_249 = arith.cmpi eq, %min3A_154, %eq3A_248 : vector<1x128xi32>
    %slice3A_250 = vector.extract_strided_slice %dot_general3A_136 {offsets = [1792, 0], sizes = [128, 128], strides = [1, 1]} : vector<2176x128xf32> to vector<128x128xf32>
    %broadcast_in_dim3A_251 = vector.shape_cast %eq3A_249 : vector<1x128xi1> to vector<1x128xi1>
    %broadcast_in_dim3A_252 = vector.broadcast %broadcast_in_dim3A_251 : vector<1x128xi1> to vector<128x128xi1>
    %select_n3A_253 = arith.select %broadcast_in_dim3A_252, %slice3A_250, %select_n3A_246 : vector<128x128xi1>, vector<128x128xf32>
    %eq3A_254 = arith.constant 15 : i32
    %eq3A_255 = vector.broadcast %eq3A_254 : i32 to vector<1x128xi32>
    %eq3A_256 = arith.cmpi eq, %min3A_154, %eq3A_255 : vector<1x128xi32>
    %slice3A_257 = vector.extract_strided_slice %dot_general3A_136 {offsets = [1920, 0], sizes = [128, 128], strides = [1, 1]} : vector<2176x128xf32> to vector<128x128xf32>
    %broadcast_in_dim3A_258 = vector.shape_cast %eq3A_256 : vector<1x128xi1> to vector<1x128xi1>
    %broadcast_in_dim3A_259 = vector.broadcast %broadcast_in_dim3A_258 : vector<1x128xi1> to vector<128x128xi1>
    %select_n3A_260 = arith.select %broadcast_in_dim3A_259, %slice3A_257, %select_n3A_253 : vector<128x128xi1>, vector<128x128xf32>
    %eq3A_261 = arith.constant 16 : i32
    %eq3A_262 = vector.broadcast %eq3A_261 : i32 to vector<1x128xi32>
    %eq3A_263 = arith.cmpi eq, %min3A_154, %eq3A_262 : vector<1x128xi32>
    %slice3A_264 = vector.extract_strided_slice %dot_general3A_136 {offsets = [2048, 0], sizes = [128, 128], strides = [1, 1]} : vector<2176x128xf32> to vector<128x128xf32>
    %broadcast_in_dim3A_265 = vector.shape_cast %eq3A_263 : vector<1x128xi1> to vector<1x128xi1>
    %broadcast_in_dim3A_266 = vector.broadcast %broadcast_in_dim3A_265 : vector<1x128xi1> to vector<128x128xi1>
    %select_n3A_267 = arith.select %broadcast_in_dim3A_266, %slice3A_264, %select_n3A_260 : vector<128x128xi1>, vector<128x128xf32>
    %ge3A = arith.constant 0 : i32
    %ge3A_268 = vector.broadcast %ge3A : i32 to vector<1x128xi32>
    %ge3A_269 = arith.cmpi sge, %min3A_16, %ge3A_268 : vector<1x128xi32>
    %slice3A_270 = vector.extract_strided_slice %dot_general3A_7 {offsets = [0, 0], sizes = [128, 128], strides = [1, 1]} : vector<2176x128xf32> to vector<128x128xf32>
    %broadcast_in_dim3A_271 = vector.shape_cast %ge3A_269 : vector<1x128xi1> to vector<1x128xi1>
    %broadcast_in_dim3A_272 = vector.broadcast %broadcast_in_dim3A_271 : vector<1x128xi1> to vector<128x128xi1>
    %select_n3A_273 = arith.select %broadcast_in_dim3A_272, %slice3A_270, %select_n3A_128 : vector<128x128xi1>, vector<128x128xf32>
    %ge3A_274 = arith.constant 16 : i32
    %ge3A_275 = vector.broadcast %ge3A_274 : i32 to vector<1x128xi32>
    %ge3A_276 = arith.cmpi sge, %min3A_154, %ge3A_275 : vector<1x128xi32>
    %slice3A_277 = vector.extract_strided_slice %dot_general3A_136 {offsets = [2048, 0], sizes = [128, 128], strides = [1, 1]} : vector<2176x128xf32> to vector<128x128xf32>
    %broadcast_in_dim3A_278 = vector.shape_cast %ge3A_276 : vector<1x128xi1> to vector<1x128xi1>
    %broadcast_in_dim3A_279 = vector.broadcast %broadcast_in_dim3A_278 : vector<1x128xi1> to vector<128x128xi1>
    %select_n3A_280 = arith.select %broadcast_in_dim3A_279, %slice3A_277, %select_n3A_267 : vector<128x128xi1>, vector<128x128xf32>
    %add3A = arith.addf %select_n3A_273, %select_n3A_280 : vector<128x128xf32>
    %swap3A = arith.constant 0 : index
    %swap3A_281 = arith.constant 0 : index
    %swap3A_282 = arith.constant 0 : index
    %swap3A_283 = vector.load %arg3[%swap3A, %swap3A_281, %swap3A_282] : memref<33x128x128xf32, #tpu.memory_space<vmem>>, vector<1x128x128xf32>
    %swap3A_284 = vector.shape_cast %swap3A_283 : vector<1x128x128xf32> to vector<128x128xf32>
    %swap3A_285 = vector.shape_cast %add3A : vector<128x128xf32> to vector<1x128x128xf32>
    tpu.vector_store %arg3[%swap3A, %swap3A_281, %swap3A_282], %swap3A_285 {strides = array<i32>} : memref<33x128x128xf32, #tpu.memory_space<vmem>>, vector<1x128x128xf32>,
    %ge3A_286 = arith.constant 0 : i32
    %ge3A_287 = vector.broadcast %ge3A_286 : i32 to vector<1x128xi32>
    %ge3A_288 = arith.cmpi sge, %min3A_16, %ge3A_287 : vector<1x128xi32>
    %slice3A_289 = vector.extract_strided_slice %dot_general3A_7 {offsets = [0, 0], sizes = [128, 128], strides = [1, 1]} : vector<2176x128xf32> to vector<128x128xf32>
    %broadcast_in_dim3A_290 = vector.shape_cast %ge3A_288 : vector<1x128xi1> to vector<1x128xi1>
    %broadcast_in_dim3A_291 = vector.broadcast %broadcast_in_dim3A_290 : vector<1x128xi1> to vector<128x128xi1>
    %select_n3A_292 = arith.select %broadcast_in_dim3A_291, %slice3A_289, %select_n3A_128 : vector<128x128xi1>, vector<128x128xf32>
    %ge3A_293 = arith.constant 15 : i32
    %ge3A_294 = vector.broadcast %ge3A_293 : i32 to vector<1x128xi32>
    %ge3A_295 = arith.cmpi sge, %min3A_154, %ge3A_294 : vector<1x128xi32>
    %slice3A_296 = vector.extract_strided_slice %dot_general3A_136 {offsets = [1920, 0], sizes = [128, 128], strides = [1, 1]} : vector<2176x128xf32> to vector<128x128xf32>
    %broadcast_in_dim3A_297 = vector.shape_cast %ge3A_295 : vector<1x128xi1> to vector<1x128xi1>
    %broadcast_in_dim3A_298 = vector.broadcast %broadcast_in_dim3A_297 : vector<1x128xi1> to vector<128x128xi1>
    %select_n3A_299 = arith.select %broadcast_in_dim3A_298, %slice3A_296, %select_n3A_267 : vector<128x128xi1>, vector<128x128xf32>
    %add3A_300 = arith.addf %select_n3A_292, %select_n3A_299 : vector<128x128xf32>
    %swap3A_301 = arith.constant 1 : index
    %swap3A_302 = arith.constant 0 : index
    %swap3A_303 = arith.constant 0 : index
    %swap3A_304 = vector.load %arg3[%swap3A_301, %swap3A_302, %swap3A_303] : memref<33x128x128xf32, #tpu.memory_space<vmem>>, vector<1x128x128xf32>
    %swap3A_305 = vector.shape_cast %swap3A_304 : vector<1x128x128xf32> to vector<128x128xf32>
    %swap3A_306 = vector.shape_cast %add3A_300 : vector<128x128xf32> to vector<1x128x128xf32>
    tpu.vector_store %arg3[%swap3A_301, %swap3A_302, %swap3A_303], %swap3A_306 {strides = array<i32>} : memref<33x128x128xf32, #tpu.memory_space<vmem>>, vector<1x128x128xf32>,
    %ge3A_307 = arith.constant 0 : i32
    %ge3A_308 = vector.broadcast %ge3A_307 : i32 to vector<1x128xi32>
    %ge3A_309 = arith.cmpi sge, %min3A_16, %ge3A_308 : vector<1x128xi32>
    %slice3A_310 = vector.extract_strided_slice %dot_general3A_7 {offsets = [0, 0], sizes = [128, 128], strides = [1, 1]} : vector<2176x128xf32> to vector<128x128xf32>
    %broadcast_in_dim3A_311 = vector.shape_cast %ge3A_309 : vector<1x128xi1> to vector<1x128xi1>
    %broadcast_in_dim3A_312 = vector.broadcast %broadcast_in_dim3A_311 : vector<1x128xi1> to vector<128x128xi1>
    %select_n3A_313 = arith.select %broadcast_in_dim3A_312, %slice3A_310, %select_n3A_128 : vector<128x128xi1>, vector<128x128xf32>
    %ge3A_314 = arith.constant 14 : i32
    %ge3A_315 = vector.broadcast %ge3A_314 : i32 to vector<1x128xi32>
    %ge3A_316 = arith.cmpi sge, %min3A_154, %ge3A_315 : vector<1x128xi32>
    %slice3A_317 = vector.extract_strided_slice %dot_general3A_136 {offsets = [1792, 0], sizes = [128, 128], strides = [1, 1]} : vector<2176x128xf32> to vector<128x128xf32>
    %broadcast_in_dim3A_318 = vector.shape_cast %ge3A_316 : vector<1x128xi1> to vector<1x128xi1>
    %broadcast_in_dim3A_319 = vector.broadcast %broadcast_in_dim3A_318 : vector<1x128xi1> to vector<128x128xi1>
    %select_n3A_320 = arith.select %broadcast_in_dim3A_319, %slice3A_317, %select_n3A_267 : vector<128x128xi1>, vector<128x128xf32>
    %add3A_321 = arith.addf %select_n3A_313, %select_n3A_320 : vector<128x128xf32>
    %swap3A_322 = arith.constant 2 : index
    %swap3A_323 = arith.constant 0 : index
    %swap3A_324 = arith.constant 0 : index
    %swap3A_325 = vector.load %arg3[%swap3A_322, %swap3A_323, %swap3A_324] : memref<33x128x128xf32, #tpu.memory_space<vmem>>, vector<1x128x128xf32>
    %swap3A_326 = vector.shape_cast %swap3A_325 : vector<1x128x128xf32> to vector<128x128xf32>
    %swap3A_327 = vector.shape_cast %add3A_321 : vector<128x128xf32> to vector<1x128x128xf32>
    tpu.vector_store %arg3[%swap3A_322, %swap3A_323, %swap3A_324], %swap3A_327 {strides = array<i32>} : memref<33x128x128xf32, #tpu.memory_space<vmem>>, vector<1x128x128xf32>,
    %ge3A_328 = arith.constant 0 : i32
    %ge3A_329 = vector.broadcast %ge3A_328 : i32 to vector<1x128xi32>
    %ge3A_330 = arith.cmpi sge, %min3A_16, %ge3A_329 : vector<1x128xi32>
    %slice3A_331 = vector.extract_strided_slice %dot_general3A_7 {offsets = [0, 0], sizes = [128, 128], strides = [1, 1]} : vector<2176x128xf32> to vector<128x128xf32>
    %broadcast_in_dim3A_332 = vector.shape_cast %ge3A_330 : vector<1x128xi1> to vector<1x128xi1>
    %broadcast_in_dim3A_333 = vector.broadcast %broadcast_in_dim3A_332 : vector<1x128xi1> to vector<128x128xi1>
    %select_n3A_334 = arith.select %broadcast_in_dim3A_333, %slice3A_331, %select_n3A_128 : vector<128x128xi1>, vector<128x128xf32>
    %ge3A_335 = arith.constant 13 : i32
    %ge3A_336 = vector.broadcast %ge3A_335 : i32 to vector<1x128xi32>
    %ge3A_337 = arith.cmpi sge, %min3A_154, %ge3A_336 : vector<1x128xi32>
    %slice3A_338 = vector.extract_strided_slice %dot_general3A_136 {offsets = [1664, 0], sizes = [128, 128], strides = [1, 1]} : vector<2176x128xf32> to vector<128x128xf32>
    %broadcast_in_dim3A_339 = vector.shape_cast %ge3A_337 : vector<1x128xi1> to vector<1x128xi1>
    %broadcast_in_dim3A_340 = vector.broadcast %broadcast_in_dim3A_339 : vector<1x128xi1> to vector<128x128xi1>
    %select_n3A_341 = arith.select %broadcast_in_dim3A_340, %slice3A_338, %select_n3A_267 : vector<128x128xi1>, vector<128x128xf32>
    %add3A_342 = arith.addf %select_n3A_334, %select_n3A_341 : vector<128x128xf32>
    %swap3A_343 = arith.constant 3 : index
    %swap3A_344 = arith.constant 0 : index
    %swap3A_345 = arith.constant 0 : index
    %swap3A_346 = vector.load %arg3[%swap3A_343, %swap3A_344, %swap3A_345] : memref<33x128x128xf32, #tpu.memory_space<vmem>>, vector<1x128x128xf32>
    %swap3A_347 = vector.shape_cast %swap3A_346 : vector<1x128x128xf32> to vector<128x128xf32>
    %swap3A_348 = vector.shape_cast %add3A_342 : vector<128x128xf32> to vector<1x128x128xf32>
    tpu.vector_store %arg3[%swap3A_343, %swap3A_344, %swap3A_345], %swap3A_348 {strides = array<i32>} : memref<33x128x128xf32, #tpu.memory_space<vmem>>, vector<1x128x128xf32>,
    %ge3A_349 = arith.constant 0 : i32
    %ge3A_350 = vector.broadcast %ge3A_349 : i32 to vector<1x128xi32>
    %ge3A_351 = arith.cmpi sge, %min3A_16, %ge3A_350 : vector<1x128xi32>
    %slice3A_352 = vector.extract_strided_slice %dot_general3A_7 {offsets = [0, 0], sizes = [128, 128], strides = [1, 1]} : vector<2176x128xf32> to vector<128x128xf32>
    %broadcast_in_dim3A_353 = vector.shape_cast %ge3A_351 : vector<1x128xi1> to vector<1x128xi1>
    %broadcast_in_dim3A_354 = vector.broadcast %broadcast_in_dim3A_353 : vector<1x128xi1> to vector<128x128xi1>
    %select_n3A_355 = arith.select %broadcast_in_dim3A_354, %slice3A_352, %select_n3A_128 : vector<128x128xi1>, vector<128x128xf32>
    %ge3A_356 = arith.constant 12 : i32
    %ge3A_357 = vector.broadcast %ge3A_356 : i32 to vector<1x128xi32>
    %ge3A_358 = arith.cmpi sge, %min3A_154, %ge3A_357 : vector<1x128xi32>
    %slice3A_359 = vector.extract_strided_slice %dot_general3A_136 {offsets = [1536, 0], sizes = [128, 128], strides = [1, 1]} : vector<2176x128xf32> to vector<128x128xf32>
    %broadcast_in_dim3A_360 = vector.shape_cast %ge3A_358 : vector<1x128xi1> to vector<1x128xi1>
    %broadcast_in_dim3A_361 = vector.broadcast %broadcast_in_dim3A_360 : vector<1x128xi1> to vector<128x128xi1>
    %select_n3A_362 = arith.select %broadcast_in_dim3A_361, %slice3A_359, %select_n3A_267 : vector<128x128xi1>, vector<128x128xf32>
    %add3A_363 = arith.addf %select_n3A_355, %select_n3A_362 : vector<128x128xf32>
    %swap3A_364 = arith.constant 4 : index
    %swap3A_365 = arith.constant 0 : index
    %swap3A_366 = arith.constant 0 : index
    %swap3A_367 = vector.load %arg3[%swap3A_364, %swap3A_365, %swap3A_366] : memref<33x128x128xf32, #tpu.memory_space<vmem>>, vector<1x128x128xf32>
    %swap3A_368 = vector.shape_cast %swap3A_367 : vector<1x128x128xf32> to vector<128x128xf32>
    %swap3A_369 = vector.shape_cast %add3A_363 : vector<128x128xf32> to vector<1x128x128xf32>
    tpu.vector_store %arg3[%swap3A_364, %swap3A_365, %swap3A_366], %swap3A_369 {strides = array<i32>} : memref<33x128x128xf32, #tpu.memory_space<vmem>>, vector<1x128x128xf32>,
    %ge3A_370 = arith.constant 0 : i32
    %ge3A_371 = vector.broadcast %ge3A_370 : i32 to vector<1x128xi32>
    %ge3A_372 = arith.cmpi sge, %min3A_16, %ge3A_371 : vector<1x128xi32>
    %slice3A_373 = vector.extract_strided_slice %dot_general3A_7 {offsets = [0, 0], sizes = [128, 128], strides = [1, 1]} : vector<2176x128xf32> to vector<128x128xf32>
    %broadcast_in_dim3A_374 = vector.shape_cast %ge3A_372 : vector<1x128xi1> to vector<1x128xi1>
    %broadcast_in_dim3A_375 = vector.broadcast %broadcast_in_dim3A_374 : vector<1x128xi1> to vector<128x128xi1>
    %select_n3A_376 = arith.select %broadcast_in_dim3A_375, %slice3A_373, %select_n3A_128 : vector<128x128xi1>, vector<128x128xf32>
    %ge3A_377 = arith.constant 11 : i32
    %ge3A_378 = vector.broadcast %ge3A_377 : i32 to vector<1x128xi32>
    %ge3A_379 = arith.cmpi sge, %min3A_154, %ge3A_378 : vector<1x128xi32>
    %slice3A_380 = vector.extract_strided_slice %dot_general3A_136 {offsets = [1408, 0], sizes = [128, 128], strides = [1, 1]} : vector<2176x128xf32> to vector<128x128xf32>
    %broadcast_in_dim3A_381 = vector.shape_cast %ge3A_379 : vector<1x128xi1> to vector<1x128xi1>
    %broadcast_in_dim3A_382 = vector.broadcast %broadcast_in_dim3A_381 : vector<1x128xi1> to vector<128x128xi1>
    %select_n3A_383 = arith.select %broadcast_in_dim3A_382, %slice3A_380, %select_n3A_267 : vector<128x128xi1>, vector<128x128xf32>
    %add3A_384 = arith.addf %select_n3A_376, %select_n3A_383 : vector<128x128xf32>
    %swap3A_385 = arith.constant 5 : index
    %swap3A_386 = arith.constant 0 : index
    %swap3A_387 = arith.constant 0 : index
    %swap3A_388 = vector.load %arg3[%swap3A_385, %swap3A_386, %swap3A_387] : memref<33x128x128xf32, #tpu.memory_space<vmem>>, vector<1x128x128xf32>
    %swap3A_389 = vector.shape_cast %swap3A_388 : vector<1x128x128xf32> to vector<128x128xf32>
    %swap3A_390 = vector.shape_cast %add3A_384 : vector<128x128xf32> to vector<1x128x128xf32>
    tpu.vector_store %arg3[%swap3A_385, %swap3A_386, %swap3A_387], %swap3A_390 {strides = array<i32>} : memref<33x128x128xf32, #tpu.memory_space<vmem>>, vector<1x128x128xf32>,
    %ge3A_391 = arith.constant 0 : i32
    %ge3A_392 = vector.broadcast %ge3A_391 : i32 to vector<1x128xi32>
    %ge3A_393 = arith.cmpi sge, %min3A_16, %ge3A_392 : vector<1x128xi32>
    %slice3A_394 = vector.extract_strided_slice %dot_general3A_7 {offsets = [0, 0], sizes = [128, 128], strides = [1, 1]} : vector<2176x128xf32> to vector<128x128xf32>
    %broadcast_in_dim3A_395 = vector.shape_cast %ge3A_393 : vector<1x128xi1> to vector<1x128xi1>
    %broadcast_in_dim3A_396 = vector.broadcast %broadcast_in_dim3A_395 : vector<1x128xi1> to vector<128x128xi1>
    %select_n3A_397 = arith.select %broadcast_in_dim3A_396, %slice3A_394, %select_n3A_128 : vector<128x128xi1>, vector<128x128xf32>
    %ge3A_398 = arith.constant 10 : i32
    %ge3A_399 = vector.broadcast %ge3A_398 : i32 to vector<1x128xi32>
    %ge3A_400 = arith.cmpi sge, %min3A_154, %ge3A_399 : vector<1x128xi32>
    %slice3A_401 = vector.extract_strided_slice %dot_general3A_136 {offsets = [1280, 0], sizes = [128, 128], strides = [1, 1]} : vector<2176x128xf32> to vector<128x128xf32>
    %broadcast_in_dim3A_402 = vector.shape_cast %ge3A_400 : vector<1x128xi1> to vector<1x128xi1>
    %broadcast_in_dim3A_403 = vector.broadcast %broadcast_in_dim3A_402 : vector<1x128xi1> to vector<128x128xi1>
    %select_n3A_404 = arith.select %broadcast_in_dim3A_403, %slice3A_401, %select_n3A_267 : vector<128x128xi1>, vector<128x128xf32>
    %add3A_405 = arith.addf %select_n3A_397, %select_n3A_404 : vector<128x128xf32>
    %swap3A_406 = arith.constant 6 : index
    %swap3A_407 = arith.constant 0 : index
    %swap3A_408 = arith.constant 0 : index
    %swap3A_409 = vector.load %arg3[%swap3A_406, %swap3A_407, %swap3A_408] : memref<33x128x128xf32, #tpu.memory_space<vmem>>, vector<1x128x128xf32>
    %swap3A_410 = vector.shape_cast %swap3A_409 : vector<1x128x128xf32> to vector<128x128xf32>
    %swap3A_411 = vector.shape_cast %add3A_405 : vector<128x128xf32> to vector<1x128x128xf32>
    tpu.vector_store %arg3[%swap3A_406, %swap3A_407, %swap3A_408], %swap3A_411 {strides = array<i32>} : memref<33x128x128xf32, #tpu.memory_space<vmem>>, vector<1x128x128xf32>,
    %ge3A_412 = arith.constant 0 : i32
    %ge3A_413 = vector.broadcast %ge3A_412 : i32 to vector<1x128xi32>
    %ge3A_414 = arith.cmpi sge, %min3A_16, %ge3A_413 : vector<1x128xi32>
    %slice3A_415 = vector.extract_strided_slice %dot_general3A_7 {offsets = [0, 0], sizes = [128, 128], strides = [1, 1]} : vector<2176x128xf32> to vector<128x128xf32>
    %broadcast_in_dim3A_416 = vector.shape_cast %ge3A_414 : vector<1x128xi1> to vector<1x128xi1>
    %broadcast_in_dim3A_417 = vector.broadcast %broadcast_in_dim3A_416 : vector<1x128xi1> to vector<128x128xi1>
    %select_n3A_418 = arith.select %broadcast_in_dim3A_417, %slice3A_415, %select_n3A_128 : vector<128x128xi1>, vector<128x128xf32>
    %ge3A_419 = arith.constant 9 : i32
    %ge3A_420 = vector.broadcast %ge3A_419 : i32 to vector<1x128xi32>
    %ge3A_421 = arith.cmpi sge, %min3A_154, %ge3A_420 : vector<1x128xi32>
    %slice3A_422 = vector.extract_strided_slice %dot_general3A_136 {offsets = [1152, 0], sizes = [128, 128], strides = [1, 1]} : vector<2176x128xf32> to vector<128x128xf32>
    %broadcast_in_dim3A_423 = vector.shape_cast %ge3A_421 : vector<1x128xi1> to vector<1x128xi1>
    %broadcast_in_dim3A_424 = vector.broadcast %broadcast_in_dim3A_423 : vector<1x128xi1> to vector<128x128xi1>
    %select_n3A_425 = arith.select %broadcast_in_dim3A_424, %slice3A_422, %select_n3A_267 : vector<128x128xi1>, vector<128x128xf32>
    %add3A_426 = arith.addf %select_n3A_418, %select_n3A_425 : vector<128x128xf32>
    %swap3A_427 = arith.constant 7 : index
    %swap3A_428 = arith.constant 0 : index
    %swap3A_429 = arith.constant 0 : index
    %swap3A_430 = vector.load %arg3[%swap3A_427, %swap3A_428, %swap3A_429] : memref<33x128x128xf32, #tpu.memory_space<vmem>>, vector<1x128x128xf32>
    %swap3A_431 = vector.shape_cast %swap3A_430 : vector<1x128x128xf32> to vector<128x128xf32>
    %swap3A_432 = vector.shape_cast %add3A_426 : vector<128x128xf32> to vector<1x128x128xf32>
    tpu.vector_store %arg3[%swap3A_427, %swap3A_428, %swap3A_429], %swap3A_432 {strides = array<i32>} : memref<33x128x128xf32, #tpu.memory_space<vmem>>, vector<1x128x128xf32>,
    %ge3A_433 = arith.constant 0 : i32
    %ge3A_434 = vector.broadcast %ge3A_433 : i32 to vector<1x128xi32>
    %ge3A_435 = arith.cmpi sge, %min3A_16, %ge3A_434 : vector<1x128xi32>
    %slice3A_436 = vector.extract_strided_slice %dot_general3A_7 {offsets = [0, 0], sizes = [128, 128], strides = [1, 1]} : vector<2176x128xf32> to vector<128x128xf32>
    %broadcast_in_dim3A_437 = vector.shape_cast %ge3A_435 : vector<1x128xi1> to vector<1x128xi1>
    %broadcast_in_dim3A_438 = vector.broadcast %broadcast_in_dim3A_437 : vector<1x128xi1> to vector<128x128xi1>
    %select_n3A_439 = arith.select %broadcast_in_dim3A_438, %slice3A_436, %select_n3A_128 : vector<128x128xi1>, vector<128x128xf32>
    %ge3A_440 = arith.constant 8 : i32
    %ge3A_441 = vector.broadcast %ge3A_440 : i32 to vector<1x128xi32>
    %ge3A_442 = arith.cmpi sge, %min3A_154, %ge3A_441 : vector<1x128xi32>
    %slice3A_443 = vector.extract_strided_slice %dot_general3A_136 {offsets = [1024, 0], sizes = [128, 128], strides = [1, 1]} : vector<2176x128xf32> to vector<128x128xf32>
    %broadcast_in_dim3A_444 = vector.shape_cast %ge3A_442 : vector<1x128xi1> to vector<1x128xi1>
    %broadcast_in_dim3A_445 = vector.broadcast %broadcast_in_dim3A_444 : vector<1x128xi1> to vector<128x128xi1>
    %select_n3A_446 = arith.select %broadcast_in_dim3A_445, %slice3A_443, %select_n3A_267 : vector<128x128xi1>, vector<128x128xf32>
    %add3A_447 = arith.addf %select_n3A_439, %select_n3A_446 : vector<128x128xf32>
    %swap3A_448 = arith.constant 8 : index
    %swap3A_449 = arith.constant 0 : index
    %swap3A_450 = arith.constant 0 : index
    %swap3A_451 = vector.load %arg3[%swap3A_448, %swap3A_449, %swap3A_450] : memref<33x128x128xf32, #tpu.memory_space<vmem>>, vector<1x128x128xf32>
    %swap3A_452 = vector.shape_cast %swap3A_451 : vector<1x128x128xf32> to vector<128x128xf32>
    %swap3A_453 = vector.shape_cast %add3A_447 : vector<128x128xf32> to vector<1x128x128xf32>
    tpu.vector_store %arg3[%swap3A_448, %swap3A_449, %swap3A_450], %swap3A_453 {strides = array<i32>} : memref<33x128x128xf32, #tpu.memory_space<vmem>>, vector<1x128x128xf32>,
    %ge3A_454 = arith.constant 0 : i32
    %ge3A_455 = vector.broadcast %ge3A_454 : i32 to vector<1x128xi32>
    %ge3A_456 = arith.cmpi sge, %min3A_16, %ge3A_455 : vector<1x128xi32>
    %slice3A_457 = vector.extract_strided_slice %dot_general3A_7 {offsets = [0, 0], sizes = [128, 128], strides = [1, 1]} : vector<2176x128xf32> to vector<128x128xf32>
    %broadcast_in_dim3A_458 = vector.shape_cast %ge3A_456 : vector<1x128xi1> to vector<1x128xi1>
    %broadcast_in_dim3A_459 = vector.broadcast %broadcast_in_dim3A_458 : vector<1x128xi1> to vector<128x128xi1>
    %select_n3A_460 = arith.select %broadcast_in_dim3A_459, %slice3A_457, %select_n3A_128 : vector<128x128xi1>, vector<128x128xf32>
    %ge3A_461 = arith.constant 7 : i32
    %ge3A_462 = vector.broadcast %ge3A_461 : i32 to vector<1x128xi32>
    %ge3A_463 = arith.cmpi sge, %min3A_154, %ge3A_462 : vector<1x128xi32>
    %slice3A_464 = vector.extract_strided_slice %dot_general3A_136 {offsets = [896, 0], sizes = [128, 128], strides = [1, 1]} : vector<2176x128xf32> to vector<128x128xf32>
    %broadcast_in_dim3A_465 = vector.shape_cast %ge3A_463 : vector<1x128xi1> to vector<1x128xi1>
    %broadcast_in_dim3A_466 = vector.broadcast %broadcast_in_dim3A_465 : vector<1x128xi1> to vector<128x128xi1>
    %select_n3A_467 = arith.select %broadcast_in_dim3A_466, %slice3A_464, %select_n3A_267 : vector<128x128xi1>, vector<128x128xf32>
    %add3A_468 = arith.addf %select_n3A_460, %select_n3A_467 : vector<128x128xf32>
    %swap3A_469 = arith.constant 9 : index
    %swap3A_470 = arith.constant 0 : index
    %swap3A_471 = arith.constant 0 : index
    %swap3A_472 = vector.load %arg3[%swap3A_469, %swap3A_470, %swap3A_471] : memref<33x128x128xf32, #tpu.memory_space<vmem>>, vector<1x128x128xf32>
    %swap3A_473 = vector.shape_cast %swap3A_472 : vector<1x128x128xf32> to vector<128x128xf32>
    %swap3A_474 = vector.shape_cast %add3A_468 : vector<128x128xf32> to vector<1x128x128xf32>
    tpu.vector_store %arg3[%swap3A_469, %swap3A_470, %swap3A_471], %swap3A_474 {strides = array<i32>} : memref<33x128x128xf32, #tpu.memory_space<vmem>>, vector<1x128x128xf32>,
    %ge3A_475 = arith.constant 0 : i32
    %ge3A_476 = vector.broadcast %ge3A_475 : i32 to vector<1x128xi32>
    %ge3A_477 = arith.cmpi sge, %min3A_16, %ge3A_476 : vector<1x128xi32>
    %slice3A_478 = vector.extract_strided_slice %dot_general3A_7 {offsets = [0, 0], sizes = [128, 128], strides = [1, 1]} : vector<2176x128xf32> to vector<128x128xf32>
    %broadcast_in_dim3A_479 = vector.shape_cast %ge3A_477 : vector<1x128xi1> to vector<1x128xi1>
    %broadcast_in_dim3A_480 = vector.broadcast %broadcast_in_dim3A_479 : vector<1x128xi1> to vector<128x128xi1>
    %select_n3A_481 = arith.select %broadcast_in_dim3A_480, %slice3A_478, %select_n3A_128 : vector<128x128xi1>, vector<128x128xf32>
    %ge3A_482 = arith.constant 6 : i32
    %ge3A_483 = vector.broadcast %ge3A_482 : i32 to vector<1x128xi32>
    %ge3A_484 = arith.cmpi sge, %min3A_154, %ge3A_483 : vector<1x128xi32>
    %slice3A_485 = vector.extract_strided_slice %dot_general3A_136 {offsets = [768, 0], sizes = [128, 128], strides = [1, 1]} : vector<2176x128xf32> to vector<128x128xf32>
    %broadcast_in_dim3A_486 = vector.shape_cast %ge3A_484 : vector<1x128xi1> to vector<1x128xi1>
    %broadcast_in_dim3A_487 = vector.broadcast %broadcast_in_dim3A_486 : vector<1x128xi1> to vector<128x128xi1>
    %select_n3A_488 = arith.select %broadcast_in_dim3A_487, %slice3A_485, %select_n3A_267 : vector<128x128xi1>, vector<128x128xf32>
    %add3A_489 = arith.addf %select_n3A_481, %select_n3A_488 : vector<128x128xf32>
    %swap3A_490 = arith.constant 10 : index
    %swap3A_491 = arith.constant 0 : index
    %swap3A_492 = arith.constant 0 : index
    %swap3A_493 = vector.load %arg3[%swap3A_490, %swap3A_491, %swap3A_492] : memref<33x128x128xf32, #tpu.memory_space<vmem>>, vector<1x128x128xf32>
    %swap3A_494 = vector.shape_cast %swap3A_493 : vector<1x128x128xf32> to vector<128x128xf32>
    %swap3A_495 = vector.shape_cast %add3A_489 : vector<128x128xf32> to vector<1x128x128xf32>
    tpu.vector_store %arg3[%swap3A_490, %swap3A_491, %swap3A_492], %swap3A_495 {strides = array<i32>} : memref<33x128x128xf32, #tpu.memory_space<vmem>>, vector<1x128x128xf32>,
    %ge3A_496 = arith.constant 0 : i32
    %ge3A_497 = vector.broadcast %ge3A_496 : i32 to vector<1x128xi32>
    %ge3A_498 = arith.cmpi sge, %min3A_16, %ge3A_497 : vector<1x128xi32>
    %slice3A_499 = vector.extract_strided_slice %dot_general3A_7 {offsets = [0, 0], sizes = [128, 128], strides = [1, 1]} : vector<2176x128xf32> to vector<128x128xf32>
    %broadcast_in_dim3A_500 = vector.shape_cast %ge3A_498 : vector<1x128xi1> to vector<1x128xi1>
    %broadcast_in_dim3A_501 = vector.broadcast %broadcast_in_dim3A_500 : vector<1x128xi1> to vector<128x128xi1>
    %select_n3A_502 = arith.select %broadcast_in_dim3A_501, %slice3A_499, %select_n3A_128 : vector<128x128xi1>, vector<128x128xf32>
    %ge3A_503 = arith.constant 5 : i32
    %ge3A_504 = vector.broadcast %ge3A_503 : i32 to vector<1x128xi32>
    %ge3A_505 = arith.cmpi sge, %min3A_154, %ge3A_504 : vector<1x128xi32>
    %slice3A_506 = vector.extract_strided_slice %dot_general3A_136 {offsets = [640, 0], sizes = [128, 128], strides = [1, 1]} : vector<2176x128xf32> to vector<128x128xf32>
    %broadcast_in_dim3A_507 = vector.shape_cast %ge3A_505 : vector<1x128xi1> to vector<1x128xi1>
    %broadcast_in_dim3A_508 = vector.broadcast %broadcast_in_dim3A_507 : vector<1x128xi1> to vector<128x128xi1>
    %select_n3A_509 = arith.select %broadcast_in_dim3A_508, %slice3A_506, %select_n3A_267 : vector<128x128xi1>, vector<128x128xf32>
    %add3A_510 = arith.addf %select_n3A_502, %select_n3A_509 : vector<128x128xf32>
    %swap3A_511 = arith.constant 11 : index
    %swap3A_512 = arith.constant 0 : index
    %swap3A_513 = arith.constant 0 : index
    %swap3A_514 = vector.load %arg3[%swap3A_511, %swap3A_512, %swap3A_513] : memref<33x128x128xf32, #tpu.memory_space<vmem>>, vector<1x128x128xf32>
    %swap3A_515 = vector.shape_cast %swap3A_514 : vector<1x128x128xf32> to vector<128x128xf32>
    %swap3A_516 = vector.shape_cast %add3A_510 : vector<128x128xf32> to vector<1x128x128xf32>
    tpu.vector_store %arg3[%swap3A_511, %swap3A_512, %swap3A_513], %swap3A_516 {strides = array<i32>} : memref<33x128x128xf32, #tpu.memory_space<vmem>>, vector<1x128x128xf32>,
    %ge3A_517 = arith.constant 0 : i32
    %ge3A_518 = vector.broadcast %ge3A_517 : i32 to vector<1x128xi32>
    %ge3A_519 = arith.cmpi sge, %min3A_16, %ge3A_518 : vector<1x128xi32>
    %slice3A_520 = vector.extract_strided_slice %dot_general3A_7 {offsets = [0, 0], sizes = [128, 128], strides = [1, 1]} : vector<2176x128xf32> to vector<128x128xf32>
    %broadcast_in_dim3A_521 = vector.shape_cast %ge3A_519 : vector<1x128xi1> to vector<1x128xi1>
    %broadcast_in_dim3A_522 = vector.broadcast %broadcast_in_dim3A_521 : vector<1x128xi1> to vector<128x128xi1>
    %select_n3A_523 = arith.select %broadcast_in_dim3A_522, %slice3A_520, %select_n3A_128 : vector<128x128xi1>, vector<128x128xf32>
    %ge3A_524 = arith.constant 4 : i32
    %ge3A_525 = vector.broadcast %ge3A_524 : i32 to vector<1x128xi32>
    %ge3A_526 = arith.cmpi sge, %min3A_154, %ge3A_525 : vector<1x128xi32>
    %slice3A_527 = vector.extract_strided_slice %dot_general3A_136 {offsets = [512, 0], sizes = [128, 128], strides = [1, 1]} : vector<2176x128xf32> to vector<128x128xf32>
    %broadcast_in_dim3A_528 = vector.shape_cast %ge3A_526 : vector<1x128xi1> to vector<1x128xi1>
    %broadcast_in_dim3A_529 = vector.broadcast %broadcast_in_dim3A_528 : vector<1x128xi1> to vector<128x128xi1>
    %select_n3A_530 = arith.select %broadcast_in_dim3A_529, %slice3A_527, %select_n3A_267 : vector<128x128xi1>, vector<128x128xf32>
    %add3A_531 = arith.addf %select_n3A_523, %select_n3A_530 : vector<128x128xf32>
    %swap3A_532 = arith.constant 12 : index
    %swap3A_533 = arith.constant 0 : index
    %swap3A_534 = arith.constant 0 : index
    %swap3A_535 = vector.load %arg3[%swap3A_532, %swap3A_533, %swap3A_534] : memref<33x128x128xf32, #tpu.memory_space<vmem>>, vector<1x128x128xf32>
    %swap3A_536 = vector.shape_cast %swap3A_535 : vector<1x128x128xf32> to vector<128x128xf32>
    %swap3A_537 = vector.shape_cast %add3A_531 : vector<128x128xf32> to vector<1x128x128xf32>
    tpu.vector_store %arg3[%swap3A_532, %swap3A_533, %swap3A_534], %swap3A_537 {strides = array<i32>} : memref<33x128x128xf32, #tpu.memory_space<vmem>>, vector<1x128x128xf32>,
    %ge3A_538 = arith.constant 0 : i32
    %ge3A_539 = vector.broadcast %ge3A_538 : i32 to vector<1x128xi32>
    %ge3A_540 = arith.cmpi sge, %min3A_16, %ge3A_539 : vector<1x128xi32>
    %slice3A_541 = vector.extract_strided_slice %dot_general3A_7 {offsets = [0, 0], sizes = [128, 128], strides = [1, 1]} : vector<2176x128xf32> to vector<128x128xf32>
    %broadcast_in_dim3A_542 = vector.shape_cast %ge3A_540 : vector<1x128xi1> to vector<1x128xi1>
    %broadcast_in_dim3A_543 = vector.broadcast %broadcast_in_dim3A_542 : vector<1x128xi1> to vector<128x128xi1>
    %select_n3A_544 = arith.select %broadcast_in_dim3A_543, %slice3A_541, %select_n3A_128 : vector<128x128xi1>, vector<128x128xf32>
    %ge3A_545 = arith.constant 3 : i32
    %ge3A_546 = vector.broadcast %ge3A_545 : i32 to vector<1x128xi32>
    %ge3A_547 = arith.cmpi sge, %min3A_154, %ge3A_546 : vector<1x128xi32>
    %slice3A_548 = vector.extract_strided_slice %dot_general3A_136 {offsets = [384, 0], sizes = [128, 128], strides = [1, 1]} : vector<2176x128xf32> to vector<128x128xf32>
    %broadcast_in_dim3A_549 = vector.shape_cast %ge3A_547 : vector<1x128xi1> to vector<1x128xi1>
    %broadcast_in_dim3A_550 = vector.broadcast %broadcast_in_dim3A_549 : vector<1x128xi1> to vector<128x128xi1>
    %select_n3A_551 = arith.select %broadcast_in_dim3A_550, %slice3A_548, %select_n3A_267 : vector<128x128xi1>, vector<128x128xf32>
    %add3A_552 = arith.addf %select_n3A_544, %select_n3A_551 : vector<128x128xf32>
    %swap3A_553 = arith.constant 13 : index
    %swap3A_554 = arith.constant 0 : index
    %swap3A_555 = arith.constant 0 : index
    %swap3A_556 = vector.load %arg3[%swap3A_553, %swap3A_554, %swap3A_555] : memref<33x128x128xf32, #tpu.memory_space<vmem>>, vector<1x128x128xf32>
    %swap3A_557 = vector.shape_cast %swap3A_556 : vector<1x128x128xf32> to vector<128x128xf32>
    %swap3A_558 = vector.shape_cast %add3A_552 : vector<128x128xf32> to vector<1x128x128xf32>
    tpu.vector_store %arg3[%swap3A_553, %swap3A_554, %swap3A_555], %swap3A_558 {strides = array<i32>} : memref<33x128x128xf32, #tpu.memory_space<vmem>>, vector<1x128x128xf32>,
    %ge3A_559 = arith.constant 0 : i32
    %ge3A_560 = vector.broadcast %ge3A_559 : i32 to vector<1x128xi32>
    %ge3A_561 = arith.cmpi sge, %min3A_16, %ge3A_560 : vector<1x128xi32>
    %slice3A_562 = vector.extract_strided_slice %dot_general3A_7 {offsets = [0, 0], sizes = [128, 128], strides = [1, 1]} : vector<2176x128xf32> to vector<128x128xf32>
    %broadcast_in_dim3A_563 = vector.shape_cast %ge3A_561 : vector<1x128xi1> to vector<1x128xi1>
    %broadcast_in_dim3A_564 = vector.broadcast %broadcast_in_dim3A_563 : vector<1x128xi1> to vector<128x128xi1>
    %select_n3A_565 = arith.select %broadcast_in_dim3A_564, %slice3A_562, %select_n3A_128 : vector<128x128xi1>, vector<128x128xf32>
    %ge3A_566 = arith.constant 2 : i32
    %ge3A_567 = vector.broadcast %ge3A_566 : i32 to vector<1x128xi32>
    %ge3A_568 = arith.cmpi sge, %min3A_154, %ge3A_567 : vector<1x128xi32>
    %slice3A_569 = vector.extract_strided_slice %dot_general3A_136 {offsets = [256, 0], sizes = [128, 128], strides = [1, 1]} : vector<2176x128xf32> to vector<128x128xf32>
    %broadcast_in_dim3A_570 = vector.shape_cast %ge3A_568 : vector<1x128xi1> to vector<1x128xi1>
    %broadcast_in_dim3A_571 = vector.broadcast %broadcast_in_dim3A_570 : vector<1x128xi1> to vector<128x128xi1>
    %select_n3A_572 = arith.select %broadcast_in_dim3A_571, %slice3A_569, %select_n3A_267 : vector<128x128xi1>, vector<128x128xf32>
    %add3A_573 = arith.addf %select_n3A_565, %select_n3A_572 : vector<128x128xf32>
    %swap3A_574 = arith.constant 14 : index
    %swap3A_575 = arith.constant 0 : index
    %swap3A_576 = arith.constant 0 : index
    %swap3A_577 = vector.load %arg3[%swap3A_574, %swap3A_575, %swap3A_576] : memref<33x128x128xf32, #tpu.memory_space<vmem>>, vector<1x128x128xf32>
    %swap3A_578 = vector.shape_cast %swap3A_577 : vector<1x128x128xf32> to vector<128x128xf32>
    %swap3A_579 = vector.shape_cast %add3A_573 : vector<128x128xf32> to vector<1x128x128xf32>
    tpu.vector_store %arg3[%swap3A_574, %swap3A_575, %swap3A_576], %swap3A_579 {strides = array<i32>} : memref<33x128x128xf32, #tpu.memory_space<vmem>>, vector<1x128x128xf32>,
    %ge3A_580 = arith.constant 0 : i32
    %ge3A_581 = vector.broadcast %ge3A_580 : i32 to vector<1x128xi32>
    %ge3A_582 = arith.cmpi sge, %min3A_16, %ge3A_581 : vector<1x128xi32>
    %slice3A_583 = vector.extract_strided_slice %dot_general3A_7 {offsets = [0, 0], sizes = [128, 128], strides = [1, 1]} : vector<2176x128xf32> to vector<128x128xf32>
    %broadcast_in_dim3A_584 = vector.shape_cast %ge3A_582 : vector<1x128xi1> to vector<1x128xi1>
    %broadcast_in_dim3A_585 = vector.broadcast %broadcast_in_dim3A_584 : vector<1x128xi1> to vector<128x128xi1>
    %select_n3A_586 = arith.select %broadcast_in_dim3A_585, %slice3A_583, %select_n3A_128 : vector<128x128xi1>, vector<128x128xf32>
    %ge3A_587 = arith.constant 1 : i32
    %ge3A_588 = vector.broadcast %ge3A_587 : i32 to vector<1x128xi32>
    %ge3A_589 = arith.cmpi sge, %min3A_154, %ge3A_588 : vector<1x128xi32>
    %slice3A_590 = vector.extract_strided_slice %dot_general3A_136 {offsets = [128, 0], sizes = [128, 128], strides = [1, 1]} : vector<2176x128xf32> to vector<128x128xf32>
    %broadcast_in_dim3A_591 = vector.shape_cast %ge3A_589 : vector<1x128xi1> to vector<1x128xi1>
    %broadcast_in_dim3A_592 = vector.broadcast %broadcast_in_dim3A_591 : vector<1x128xi1> to vector<128x128xi1>
    %select_n3A_593 = arith.select %broadcast_in_dim3A_592, %slice3A_590, %select_n3A_267 : vector<128x128xi1>, vector<128x128xf32>
    %add3A_594 = arith.addf %select_n3A_586, %select_n3A_593 : vector<128x128xf32>
    %swap3A_595 = arith.constant 15 : index
    %swap3A_596 = arith.constant 0 : index
    %swap3A_597 = arith.constant 0 : index
    %swap3A_598 = vector.load %arg3[%swap3A_595, %swap3A_596, %swap3A_597] : memref<33x128x128xf32, #tpu.memory_space<vmem>>, vector<1x128x128xf32>
    %swap3A_599 = vector.shape_cast %swap3A_598 : vector<1x128x128xf32> to vector<128x128xf32>
    %swap3A_600 = vector.shape_cast %add3A_594 : vector<128x128xf32> to vector<1x128x128xf32>
    tpu.vector_store %arg3[%swap3A_595, %swap3A_596, %swap3A_597], %swap3A_600 {strides = array<i32>} : memref<33x128x128xf32, #tpu.memory_space<vmem>>, vector<1x128x128xf32>,
    %ge3A_601 = arith.constant 0 : i32
    %ge3A_602 = vector.broadcast %ge3A_601 : i32 to vector<1x128xi32>
    %ge3A_603 = arith.cmpi sge, %min3A_16, %ge3A_602 : vector<1x128xi32>
    %slice3A_604 = vector.extract_strided_slice %dot_general3A_7 {offsets = [0, 0], sizes = [128, 128], strides = [1, 1]} : vector<2176x128xf32> to vector<128x128xf32>
    %broadcast_in_dim3A_605 = vector.shape_cast %ge3A_603 : vector<1x128xi1> to vector<1x128xi1>
    %broadcast_in_dim3A_606 = vector.broadcast %broadcast_in_dim3A_605 : vector<1x128xi1> to vector<128x128xi1>
    %select_n3A_607 = arith.select %broadcast_in_dim3A_606, %slice3A_604, %select_n3A_128 : vector<128x128xi1>, vector<128x128xf32>
    %ge3A_608 = arith.constant 0 : i32
    %ge3A_609 = vector.broadcast %ge3A_608 : i32 to vector<1x128xi32>
    %ge3A_610 = arith.cmpi sge, %min3A_154, %ge3A_609 : vector<1x128xi32>
    %slice3A_611 = vector.extract_strided_slice %dot_general3A_136 {offsets = [0, 0], sizes = [128, 128], strides = [1, 1]} : vector<2176x128xf32> to vector<128x128xf32>
    %broadcast_in_dim3A_612 = vector.shape_cast %ge3A_610 : vector<1x128xi1> to vector<1x128xi1>
    %broadcast_in_dim3A_613 = vector.broadcast %broadcast_in_dim3A_612 : vector<1x128xi1> to vector<128x128xi1>
    %select_n3A_614 = arith.select %broadcast_in_dim3A_613, %slice3A_611, %select_n3A_267 : vector<128x128xi1>, vector<128x128xf32>
    %add3A_615 = arith.addf %select_n3A_607, %select_n3A_614 : vector<128x128xf32>
    %swap3A_616 = arith.constant 16 : index
    %swap3A_617 = arith.constant 0 : index
    %swap3A_618 = arith.constant 0 : index
    %swap3A_619 = vector.load %arg3[%swap3A_616, %swap3A_617, %swap3A_618] : memref<33x128x128xf32, #tpu.memory_space<vmem>>, vector<1x128x128xf32>
    %swap3A_620 = vector.shape_cast %swap3A_619 : vector<1x128x128xf32> to vector<128x128xf32>
    %swap3A_621 = vector.shape_cast %add3A_615 : vector<128x128xf32> to vector<1x128x128xf32>
    tpu.vector_store %arg3[%swap3A_616, %swap3A_617, %swap3A_618], %swap3A_621 {strides = array<i32>} : memref<33x128x128xf32, #tpu.memory_space<vmem>>, vector<1x128x128xf32>,
    %ge3A_622 = arith.constant 1 : i32
    %ge3A_623 = vector.broadcast %ge3A_622 : i32 to vector<1x128xi32>
    %ge3A_624 = arith.cmpi sge, %min3A_16, %ge3A_623 : vector<1x128xi32>
    %slice3A_625 = vector.extract_strided_slice %dot_general3A_7 {offsets = [128, 0], sizes = [128, 128], strides = [1, 1]} : vector<2176x128xf32> to vector<128x128xf32>
    %broadcast_in_dim3A_626 = vector.shape_cast %ge3A_624 : vector<1x128xi1> to vector<1x128xi1>
    %broadcast_in_dim3A_627 = vector.broadcast %broadcast_in_dim3A_626 : vector<1x128xi1> to vector<128x128xi1>
    %select_n3A_628 = arith.select %broadcast_in_dim3A_627, %slice3A_625, %select_n3A_128 : vector<128x128xi1>, vector<128x128xf32>
    %ge3A_629 = arith.constant 0 : i32
    %ge3A_630 = vector.broadcast %ge3A_629 : i32 to vector<1x128xi32>
    %ge3A_631 = arith.cmpi sge, %min3A_154, %ge3A_630 : vector<1x128xi32>
    %slice3A_632 = vector.extract_strided_slice %dot_general3A_136 {offsets = [0, 0], sizes = [128, 128], strides = [1, 1]} : vector<2176x128xf32> to vector<128x128xf32>
    %broadcast_in_dim3A_633 = vector.shape_cast %ge3A_631 : vector<1x128xi1> to vector<1x128xi1>
    %broadcast_in_dim3A_634 = vector.broadcast %broadcast_in_dim3A_633 : vector<1x128xi1> to vector<128x128xi1>
    %select_n3A_635 = arith.select %broadcast_in_dim3A_634, %slice3A_632, %select_n3A_267 : vector<128x128xi1>, vector<128x128xf32>
    %add3A_636 = arith.addf %select_n3A_628, %select_n3A_635 : vector<128x128xf32>
    %swap3A_637 = arith.constant 17 : index
    %swap3A_638 = arith.constant 0 : index
    %swap3A_639 = arith.constant 0 : index
    %swap3A_640 = vector.load %arg3[%swap3A_637, %swap3A_638, %swap3A_639] : memref<33x128x128xf32, #tpu.memory_space<vmem>>, vector<1x128x128xf32>
    %swap3A_641 = vector.shape_cast %swap3A_640 : vector<1x128x128xf32> to vector<128x128xf32>
    %swap3A_642 = vector.shape_cast %add3A_636 : vector<128x128xf32> to vector<1x128x128xf32>
    tpu.vector_store %arg3[%swap3A_637, %swap3A_638, %swap3A_639], %swap3A_642 {strides = array<i32>} : memref<33x128x128xf32, #tpu.memory_space<vmem>>, vector<1x128x128xf32>,
    %ge3A_643 = arith.constant 2 : i32
    %ge3A_644 = vector.broadcast %ge3A_643 : i32 to vector<1x128xi32>
    %ge3A_645 = arith.cmpi sge, %min3A_16, %ge3A_644 : vector<1x128xi32>
    %slice3A_646 = vector.extract_strided_slice %dot_general3A_7 {offsets = [256, 0], sizes = [128, 128], strides = [1, 1]} : vector<2176x128xf32> to vector<128x128xf32>
    %broadcast_in_dim3A_647 = vector.shape_cast %ge3A_645 : vector<1x128xi1> to vector<1x128xi1>
    %broadcast_in_dim3A_648 = vector.broadcast %broadcast_in_dim3A_647 : vector<1x128xi1> to vector<128x128xi1>
    %select_n3A_649 = arith.select %broadcast_in_dim3A_648, %slice3A_646, %select_n3A_128 : vector<128x128xi1>, vector<128x128xf32>
    %ge3A_650 = arith.constant 0 : i32
    %ge3A_651 = vector.broadcast %ge3A_650 : i32 to vector<1x128xi32>
    %ge3A_652 = arith.cmpi sge, %min3A_154, %ge3A_651 : vector<1x128xi32>
    %slice3A_653 = vector.extract_strided_slice %dot_general3A_136 {offsets = [0, 0], sizes = [128, 128], strides = [1, 1]} : vector<2176x128xf32> to vector<128x128xf32>
    %broadcast_in_dim3A_654 = vector.shape_cast %ge3A_652 : vector<1x128xi1> to vector<1x128xi1>
    %broadcast_in_dim3A_655 = vector.broadcast %broadcast_in_dim3A_654 : vector<1x128xi1> to vector<128x128xi1>
    %select_n3A_656 = arith.select %broadcast_in_dim3A_655, %slice3A_653, %select_n3A_267 : vector<128x128xi1>, vector<128x128xf32>
    %add3A_657 = arith.addf %select_n3A_649, %select_n3A_656 : vector<128x128xf32>
    %swap3A_658 = arith.constant 18 : index
    %swap3A_659 = arith.constant 0 : index
    %swap3A_660 = arith.constant 0 : index
    %swap3A_661 = vector.load %arg3[%swap3A_658, %swap3A_659, %swap3A_660] : memref<33x128x128xf32, #tpu.memory_space<vmem>>, vector<1x128x128xf32>
    %swap3A_662 = vector.shape_cast %swap3A_661 : vector<1x128x128xf32> to vector<128x128xf32>
    %swap3A_663 = vector.shape_cast %add3A_657 : vector<128x128xf32> to vector<1x128x128xf32>
    tpu.vector_store %arg3[%swap3A_658, %swap3A_659, %swap3A_660], %swap3A_663 {strides = array<i32>} : memref<33x128x128xf32, #tpu.memory_space<vmem>>, vector<1x128x128xf32>,
    %ge3A_664 = arith.constant 3 : i32
    %ge3A_665 = vector.broadcast %ge3A_664 : i32 to vector<1x128xi32>
    %ge3A_666 = arith.cmpi sge, %min3A_16, %ge3A_665 : vector<1x128xi32>
    %slice3A_667 = vector.extract_strided_slice %dot_general3A_7 {offsets = [384, 0], sizes = [128, 128], strides = [1, 1]} : vector<2176x128xf32> to vector<128x128xf32>
    %broadcast_in_dim3A_668 = vector.shape_cast %ge3A_666 : vector<1x128xi1> to vector<1x128xi1>
    %broadcast_in_dim3A_669 = vector.broadcast %broadcast_in_dim3A_668 : vector<1x128xi1> to vector<128x128xi1>
    %select_n3A_670 = arith.select %broadcast_in_dim3A_669, %slice3A_667, %select_n3A_128 : vector<128x128xi1>, vector<128x128xf32>
    %ge3A_671 = arith.constant 0 : i32
    %ge3A_672 = vector.broadcast %ge3A_671 : i32 to vector<1x128xi32>
    %ge3A_673 = arith.cmpi sge, %min3A_154, %ge3A_672 : vector<1x128xi32>
    %slice3A_674 = vector.extract_strided_slice %dot_general3A_136 {offsets = [0, 0], sizes = [128, 128], strides = [1, 1]} : vector<2176x128xf32> to vector<128x128xf32>
    %broadcast_in_dim3A_675 = vector.shape_cast %ge3A_673 : vector<1x128xi1> to vector<1x128xi1>
    %broadcast_in_dim3A_676 = vector.broadcast %broadcast_in_dim3A_675 : vector<1x128xi1> to vector<128x128xi1>
    %select_n3A_677 = arith.select %broadcast_in_dim3A_676, %slice3A_674, %select_n3A_267 : vector<128x128xi1>, vector<128x128xf32>
    %add3A_678 = arith.addf %select_n3A_670, %select_n3A_677 : vector<128x128xf32>
    %swap3A_679 = arith.constant 19 : index
    %swap3A_680 = arith.constant 0 : index
    %swap3A_681 = arith.constant 0 : index
    %swap3A_682 = vector.load %arg3[%swap3A_679, %swap3A_680, %swap3A_681] : memref<33x128x128xf32, #tpu.memory_space<vmem>>, vector<1x128x128xf32>
    %swap3A_683 = vector.shape_cast %swap3A_682 : vector<1x128x128xf32> to vector<128x128xf32>
    %swap3A_684 = vector.shape_cast %add3A_678 : vector<128x128xf32> to vector<1x128x128xf32>
    tpu.vector_store %arg3[%swap3A_679, %swap3A_680, %swap3A_681], %swap3A_684 {strides = array<i32>} : memref<33x128x128xf32, #tpu.memory_space<vmem>>, vector<1x128x128xf32>,
    %ge3A_685 = arith.constant 4 : i32
    %ge3A_686 = vector.broadcast %ge3A_685 : i32 to vector<1x128xi32>
    %ge3A_687 = arith.cmpi sge, %min3A_16, %ge3A_686 : vector<1x128xi32>
    %slice3A_688 = vector.extract_strided_slice %dot_general3A_7 {offsets = [512, 0], sizes = [128, 128], strides = [1, 1]} : vector<2176x128xf32> to vector<128x128xf32>
    %broadcast_in_dim3A_689 = vector.shape_cast %ge3A_687 : vector<1x128xi1> to vector<1x128xi1>
    %broadcast_in_dim3A_690 = vector.broadcast %broadcast_in_dim3A_689 : vector<1x128xi1> to vector<128x128xi1>
    %select_n3A_691 = arith.select %broadcast_in_dim3A_690, %slice3A_688, %select_n3A_128 : vector<128x128xi1>, vector<128x128xf32>
    %ge3A_692 = arith.constant 0 : i32
    %ge3A_693 = vector.broadcast %ge3A_692 : i32 to vector<1x128xi32>
    %ge3A_694 = arith.cmpi sge, %min3A_154, %ge3A_693 : vector<1x128xi32>
    %slice3A_695 = vector.extract_strided_slice %dot_general3A_136 {offsets = [0, 0], sizes = [128, 128], strides = [1, 1]} : vector<2176x128xf32> to vector<128x128xf32>
    %broadcast_in_dim3A_696 = vector.shape_cast %ge3A_694 : vector<1x128xi1> to vector<1x128xi1>
    %broadcast_in_dim3A_697 = vector.broadcast %broadcast_in_dim3A_696 : vector<1x128xi1> to vector<128x128xi1>
    %select_n3A_698 = arith.select %broadcast_in_dim3A_697, %slice3A_695, %select_n3A_267 : vector<128x128xi1>, vector<128x128xf32>
    %add3A_699 = arith.addf %select_n3A_691, %select_n3A_698 : vector<128x128xf32>
    %swap3A_700 = arith.constant 20 : index
    %swap3A_701 = arith.constant 0 : index
    %swap3A_702 = arith.constant 0 : index
    %swap3A_703 = vector.load %arg3[%swap3A_700, %swap3A_701, %swap3A_702] : memref<33x128x128xf32, #tpu.memory_space<vmem>>, vector<1x128x128xf32>
    %swap3A_704 = vector.shape_cast %swap3A_703 : vector<1x128x128xf32> to vector<128x128xf32>
    %swap3A_705 = vector.shape_cast %add3A_699 : vector<128x128xf32> to vector<1x128x128xf32>
    tpu.vector_store %arg3[%swap3A_700, %swap3A_701, %swap3A_702], %swap3A_705 {strides = array<i32>} : memref<33x128x128xf32, #tpu.memory_space<vmem>>, vector<1x128x128xf32>,
    %ge3A_706 = arith.constant 5 : i32
    %ge3A_707 = vector.broadcast %ge3A_706 : i32 to vector<1x128xi32>
    %ge3A_708 = arith.cmpi sge, %min3A_16, %ge3A_707 : vector<1x128xi32>
    %slice3A_709 = vector.extract_strided_slice %dot_general3A_7 {offsets = [640, 0], sizes = [128, 128], strides = [1, 1]} : vector<2176x128xf32> to vector<128x128xf32>
    %broadcast_in_dim3A_710 = vector.shape_cast %ge3A_708 : vector<1x128xi1> to vector<1x128xi1>
    %broadcast_in_dim3A_711 = vector.broadcast %broadcast_in_dim3A_710 : vector<1x128xi1> to vector<128x128xi1>
    %select_n3A_712 = arith.select %broadcast_in_dim3A_711, %slice3A_709, %select_n3A_128 : vector<128x128xi1>, vector<128x128xf32>
    %ge3A_713 = arith.constant 0 : i32
    %ge3A_714 = vector.broadcast %ge3A_713 : i32 to vector<1x128xi32>
    %ge3A_715 = arith.cmpi sge, %min3A_154, %ge3A_714 : vector<1x128xi32>
    %slice3A_716 = vector.extract_strided_slice %dot_general3A_136 {offsets = [0, 0], sizes = [128, 128], strides = [1, 1]} : vector<2176x128xf32> to vector<128x128xf32>
    %broadcast_in_dim3A_717 = vector.shape_cast %ge3A_715 : vector<1x128xi1> to vector<1x128xi1>
    %broadcast_in_dim3A_718 = vector.broadcast %broadcast_in_dim3A_717 : vector<1x128xi1> to vector<128x128xi1>
    %select_n3A_719 = arith.select %broadcast_in_dim3A_718, %slice3A_716, %select_n3A_267 : vector<128x128xi1>, vector<128x128xf32>
    %add3A_720 = arith.addf %select_n3A_712, %select_n3A_719 : vector<128x128xf32>
    %swap3A_721 = arith.constant 21 : index
    %swap3A_722 = arith.constant 0 : index
    %swap3A_723 = arith.constant 0 : index
    %swap3A_724 = vector.load %arg3[%swap3A_721, %swap3A_722, %swap3A_723] : memref<33x128x128xf32, #tpu.memory_space<vmem>>, vector<1x128x128xf32>
    %swap3A_725 = vector.shape_cast %swap3A_724 : vector<1x128x128xf32> to vector<128x128xf32>
    %swap3A_726 = vector.shape_cast %add3A_720 : vector<128x128xf32> to vector<1x128x128xf32>
    tpu.vector_store %arg3[%swap3A_721, %swap3A_722, %swap3A_723], %swap3A_726 {strides = array<i32>} : memref<33x128x128xf32, #tpu.memory_space<vmem>>, vector<1x128x128xf32>,
    %ge3A_727 = arith.constant 6 : i32
    %ge3A_728 = vector.broadcast %ge3A_727 : i32 to vector<1x128xi32>
    %ge3A_729 = arith.cmpi sge, %min3A_16, %ge3A_728 : vector<1x128xi32>
    %slice3A_730 = vector.extract_strided_slice %dot_general3A_7 {offsets = [768, 0], sizes = [128, 128], strides = [1, 1]} : vector<2176x128xf32> to vector<128x128xf32>
    %broadcast_in_dim3A_731 = vector.shape_cast %ge3A_729 : vector<1x128xi1> to vector<1x128xi1>
    %broadcast_in_dim3A_732 = vector.broadcast %broadcast_in_dim3A_731 : vector<1x128xi1> to vector<128x128xi1>
    %select_n3A_733 = arith.select %broadcast_in_dim3A_732, %slice3A_730, %select_n3A_128 : vector<128x128xi1>, vector<128x128xf32>
    %ge3A_734 = arith.constant 0 : i32
    %ge3A_735 = vector.broadcast %ge3A_734 : i32 to vector<1x128xi32>
    %ge3A_736 = arith.cmpi sge, %min3A_154, %ge3A_735 : vector<1x128xi32>
    %slice3A_737 = vector.extract_strided_slice %dot_general3A_136 {offsets = [0, 0], sizes = [128, 128], strides = [1, 1]} : vector<2176x128xf32> to vector<128x128xf32>
    %broadcast_in_dim3A_738 = vector.shape_cast %ge3A_736 : vector<1x128xi1> to vector<1x128xi1>
    %broadcast_in_dim3A_739 = vector.broadcast %broadcast_in_dim3A_738 : vector<1x128xi1> to vector<128x128xi1>
    %select_n3A_740 = arith.select %broadcast_in_dim3A_739, %slice3A_737, %select_n3A_267 : vector<128x128xi1>, vector<128x128xf32>
    %add3A_741 = arith.addf %select_n3A_733, %select_n3A_740 : vector<128x128xf32>
    %swap3A_742 = arith.constant 22 : index
    %swap3A_743 = arith.constant 0 : index
    %swap3A_744 = arith.constant 0 : index
    %swap3A_745 = vector.load %arg3[%swap3A_742, %swap3A_743, %swap3A_744] : memref<33x128x128xf32, #tpu.memory_space<vmem>>, vector<1x128x128xf32>
    %swap3A_746 = vector.shape_cast %swap3A_745 : vector<1x128x128xf32> to vector<128x128xf32>
    %swap3A_747 = vector.shape_cast %add3A_741 : vector<128x128xf32> to vector<1x128x128xf32>
    tpu.vector_store %arg3[%swap3A_742, %swap3A_743, %swap3A_744], %swap3A_747 {strides = array<i32>} : memref<33x128x128xf32, #tpu.memory_space<vmem>>, vector<1x128x128xf32>,
    %ge3A_748 = arith.constant 7 : i32
    %ge3A_749 = vector.broadcast %ge3A_748 : i32 to vector<1x128xi32>
    %ge3A_750 = arith.cmpi sge, %min3A_16, %ge3A_749 : vector<1x128xi32>
    %slice3A_751 = vector.extract_strided_slice %dot_general3A_7 {offsets = [896, 0], sizes = [128, 128], strides = [1, 1]} : vector<2176x128xf32> to vector<128x128xf32>
    %broadcast_in_dim3A_752 = vector.shape_cast %ge3A_750 : vector<1x128xi1> to vector<1x128xi1>
    %broadcast_in_dim3A_753 = vector.broadcast %broadcast_in_dim3A_752 : vector<1x128xi1> to vector<128x128xi1>
    %select_n3A_754 = arith.select %broadcast_in_dim3A_753, %slice3A_751, %select_n3A_128 : vector<128x128xi1>, vector<128x128xf32>
    %ge3A_755 = arith.constant 0 : i32
    %ge3A_756 = vector.broadcast %ge3A_755 : i32 to vector<1x128xi32>
    %ge3A_757 = arith.cmpi sge, %min3A_154, %ge3A_756 : vector<1x128xi32>
    %slice3A_758 = vector.extract_strided_slice %dot_general3A_136 {offsets = [0, 0], sizes = [128, 128], strides = [1, 1]} : vector<2176x128xf32> to vector<128x128xf32>
    %broadcast_in_dim3A_759 = vector.shape_cast %ge3A_757 : vector<1x128xi1> to vector<1x128xi1>
    %broadcast_in_dim3A_760 = vector.broadcast %broadcast_in_dim3A_759 : vector<1x128xi1> to vector<128x128xi1>
    %select_n3A_761 = arith.select %broadcast_in_dim3A_760, %slice3A_758, %select_n3A_267 : vector<128x128xi1>, vector<128x128xf32>
    %add3A_762 = arith.addf %select_n3A_754, %select_n3A_761 : vector<128x128xf32>
    %swap3A_763 = arith.constant 23 : index
    %swap3A_764 = arith.constant 0 : index
    %swap3A_765 = arith.constant 0 : index
    %swap3A_766 = vector.load %arg3[%swap3A_763, %swap3A_764, %swap3A_765] : memref<33x128x128xf32, #tpu.memory_space<vmem>>, vector<1x128x128xf32>
    %swap3A_767 = vector.shape_cast %swap3A_766 : vector<1x128x128xf32> to vector<128x128xf32>
    %swap3A_768 = vector.shape_cast %add3A_762 : vector<128x128xf32> to vector<1x128x128xf32>
    tpu.vector_store %arg3[%swap3A_763, %swap3A_764, %swap3A_765], %swap3A_768 {strides = array<i32>} : memref<33x128x128xf32, #tpu.memory_space<vmem>>, vector<1x128x128xf32>,
    %ge3A_769 = arith.constant 8 : i32
    %ge3A_770 = vector.broadcast %ge3A_769 : i32 to vector<1x128xi32>
    %ge3A_771 = arith.cmpi sge, %min3A_16, %ge3A_770 : vector<1x128xi32>
    %slice3A_772 = vector.extract_strided_slice %dot_general3A_7 {offsets = [1024, 0], sizes = [128, 128], strides = [1, 1]} : vector<2176x128xf32> to vector<128x128xf32>
    %broadcast_in_dim3A_773 = vector.shape_cast %ge3A_771 : vector<1x128xi1> to vector<1x128xi1>
    %broadcast_in_dim3A_774 = vector.broadcast %broadcast_in_dim3A_773 : vector<1x128xi1> to vector<128x128xi1>
    %select_n3A_775 = arith.select %broadcast_in_dim3A_774, %slice3A_772, %select_n3A_128 : vector<128x128xi1>, vector<128x128xf32>
    %ge3A_776 = arith.constant 0 : i32
    %ge3A_777 = vector.broadcast %ge3A_776 : i32 to vector<1x128xi32>
    %ge3A_778 = arith.cmpi sge, %min3A_154, %ge3A_777 : vector<1x128xi32>
    %slice3A_779 = vector.extract_strided_slice %dot_general3A_136 {offsets = [0, 0], sizes = [128, 128], strides = [1, 1]} : vector<2176x128xf32> to vector<128x128xf32>
    %broadcast_in_dim3A_780 = vector.shape_cast %ge3A_778 : vector<1x128xi1> to vector<1x128xi1>
    %broadcast_in_dim3A_781 = vector.broadcast %broadcast_in_dim3A_780 : vector<1x128xi1> to vector<128x128xi1>
    %select_n3A_782 = arith.select %broadcast_in_dim3A_781, %slice3A_779, %select_n3A_267 : vector<128x128xi1>, vector<128x128xf32>
    %add3A_783 = arith.addf %select_n3A_775, %select_n3A_782 : vector<128x128xf32>
    %swap3A_784 = arith.constant 24 : index
    %swap3A_785 = arith.constant 0 : index
    %swap3A_786 = arith.constant 0 : index
    %swap3A_787 = vector.load %arg3[%swap3A_784, %swap3A_785, %swap3A_786] : memref<33x128x128xf32, #tpu.memory_space<vmem>>, vector<1x128x128xf32>
    %swap3A_788 = vector.shape_cast %swap3A_787 : vector<1x128x128xf32> to vector<128x128xf32>
    %swap3A_789 = vector.shape_cast %add3A_783 : vector<128x128xf32> to vector<1x128x128xf32>
    tpu.vector_store %arg3[%swap3A_784, %swap3A_785, %swap3A_786], %swap3A_789 {strides = array<i32>} : memref<33x128x128xf32, #tpu.memory_space<vmem>>, vector<1x128x128xf32>,
    %ge3A_790 = arith.constant 9 : i32
    %ge3A_791 = vector.broadcast %ge3A_790 : i32 to vector<1x128xi32>
    %ge3A_792 = arith.cmpi sge, %min3A_16, %ge3A_791 : vector<1x128xi32>
    %slice3A_793 = vector.extract_strided_slice %dot_general3A_7 {offsets = [1152, 0], sizes = [128, 128], strides = [1, 1]} : vector<2176x128xf32> to vector<128x128xf32>
    %broadcast_in_dim3A_794 = vector.shape_cast %ge3A_792 : vector<1x128xi1> to vector<1x128xi1>
    %broadcast_in_dim3A_795 = vector.broadcast %broadcast_in_dim3A_794 : vector<1x128xi1> to vector<128x128xi1>
    %select_n3A_796 = arith.select %broadcast_in_dim3A_795, %slice3A_793, %select_n3A_128 : vector<128x128xi1>, vector<128x128xf32>
    %ge3A_797 = arith.constant 0 : i32
    %ge3A_798 = vector.broadcast %ge3A_797 : i32 to vector<1x128xi32>
    %ge3A_799 = arith.cmpi sge, %min3A_154, %ge3A_798 : vector<1x128xi32>
    %slice3A_800 = vector.extract_strided_slice %dot_general3A_136 {offsets = [0, 0], sizes = [128, 128], strides = [1, 1]} : vector<2176x128xf32> to vector<128x128xf32>
    %broadcast_in_dim3A_801 = vector.shape_cast %ge3A_799 : vector<1x128xi1> to vector<1x128xi1>
    %broadcast_in_dim3A_802 = vector.broadcast %broadcast_in_dim3A_801 : vector<1x128xi1> to vector<128x128xi1>
    %select_n3A_803 = arith.select %broadcast_in_dim3A_802, %slice3A_800, %select_n3A_267 : vector<128x128xi1>, vector<128x128xf32>
    %add3A_804 = arith.addf %select_n3A_796, %select_n3A_803 : vector<128x128xf32>
    %swap3A_805 = arith.constant 25 : index
    %swap3A_806 = arith.constant 0 : index
    %swap3A_807 = arith.constant 0 : index
    %swap3A_808 = vector.load %arg3[%swap3A_805, %swap3A_806, %swap3A_807] : memref<33x128x128xf32, #tpu.memory_space<vmem>>, vector<1x128x128xf32>
    %swap3A_809 = vector.shape_cast %swap3A_808 : vector<1x128x128xf32> to vector<128x128xf32>
    %swap3A_810 = vector.shape_cast %add3A_804 : vector<128x128xf32> to vector<1x128x128xf32>
    tpu.vector_store %arg3[%swap3A_805, %swap3A_806, %swap3A_807], %swap3A_810 {strides = array<i32>} : memref<33x128x128xf32, #tpu.memory_space<vmem>>, vector<1x128x128xf32>,
    %ge3A_811 = arith.constant 10 : i32
    %ge3A_812 = vector.broadcast %ge3A_811 : i32 to vector<1x128xi32>
    %ge3A_813 = arith.cmpi sge, %min3A_16, %ge3A_812 : vector<1x128xi32>
    %slice3A_814 = vector.extract_strided_slice %dot_general3A_7 {offsets = [1280, 0], sizes = [128, 128], strides = [1, 1]} : vector<2176x128xf32> to vector<128x128xf32>
    %broadcast_in_dim3A_815 = vector.shape_cast %ge3A_813 : vector<1x128xi1> to vector<1x128xi1>
    %broadcast_in_dim3A_816 = vector.broadcast %broadcast_in_dim3A_815 : vector<1x128xi1> to vector<128x128xi1>
    %select_n3A_817 = arith.select %broadcast_in_dim3A_816, %slice3A_814, %select_n3A_128 : vector<128x128xi1>, vector<128x128xf32>
    %ge3A_818 = arith.constant 0 : i32
    %ge3A_819 = vector.broadcast %ge3A_818 : i32 to vector<1x128xi32>
    %ge3A_820 = arith.cmpi sge, %min3A_154, %ge3A_819 : vector<1x128xi32>
    %slice3A_821 = vector.extract_strided_slice %dot_general3A_136 {offsets = [0, 0], sizes = [128, 128], strides = [1, 1]} : vector<2176x128xf32> to vector<128x128xf32>
    %broadcast_in_dim3A_822 = vector.shape_cast %ge3A_820 : vector<1x128xi1> to vector<1x128xi1>
    %broadcast_in_dim3A_823 = vector.broadcast %broadcast_in_dim3A_822 : vector<1x128xi1> to vector<128x128xi1>
    %select_n3A_824 = arith.select %broadcast_in_dim3A_823, %slice3A_821, %select_n3A_267 : vector<128x128xi1>, vector<128x128xf32>
    %add3A_825 = arith.addf %select_n3A_817, %select_n3A_824 : vector<128x128xf32>
    %swap3A_826 = arith.constant 26 : index
    %swap3A_827 = arith.constant 0 : index
    %swap3A_828 = arith.constant 0 : index
    %swap3A_829 = vector.load %arg3[%swap3A_826, %swap3A_827, %swap3A_828] : memref<33x128x128xf32, #tpu.memory_space<vmem>>, vector<1x128x128xf32>
    %swap3A_830 = vector.shape_cast %swap3A_829 : vector<1x128x128xf32> to vector<128x128xf32>
    %swap3A_831 = vector.shape_cast %add3A_825 : vector<128x128xf32> to vector<1x128x128xf32>
    tpu.vector_store %arg3[%swap3A_826, %swap3A_827, %swap3A_828], %swap3A_831 {strides = array<i32>} : memref<33x128x128xf32, #tpu.memory_space<vmem>>, vector<1x128x128xf32>,
    %ge3A_832 = arith.constant 11 : i32
    %ge3A_833 = vector.broadcast %ge3A_832 : i32 to vector<1x128xi32>
    %ge3A_834 = arith.cmpi sge, %min3A_16, %ge3A_833 : vector<1x128xi32>
    %slice3A_835 = vector.extract_strided_slice %dot_general3A_7 {offsets = [1408, 0], sizes = [128, 128], strides = [1, 1]} : vector<2176x128xf32> to vector<128x128xf32>
    %broadcast_in_dim3A_836 = vector.shape_cast %ge3A_834 : vector<1x128xi1> to vector<1x128xi1>
    %broadcast_in_dim3A_837 = vector.broadcast %broadcast_in_dim3A_836 : vector<1x128xi1> to vector<128x128xi1>
    %select_n3A_838 = arith.select %broadcast_in_dim3A_837, %slice3A_835, %select_n3A_128 : vector<128x128xi1>, vector<128x128xf32>
    %ge3A_839 = arith.constant 0 : i32
    %ge3A_840 = vector.broadcast %ge3A_839 : i32 to vector<1x128xi32>
    %ge3A_841 = arith.cmpi sge, %min3A_154, %ge3A_840 : vector<1x128xi32>
    %slice3A_842 = vector.extract_strided_slice %dot_general3A_136 {offsets = [0, 0], sizes = [128, 128], strides = [1, 1]} : vector<2176x128xf32> to vector<128x128xf32>
    %broadcast_in_dim3A_843 = vector.shape_cast %ge3A_841 : vector<1x128xi1> to vector<1x128xi1>
    %broadcast_in_dim3A_844 = vector.broadcast %broadcast_in_dim3A_843 : vector<1x128xi1> to vector<128x128xi1>
    %select_n3A_845 = arith.select %broadcast_in_dim3A_844, %slice3A_842, %select_n3A_267 : vector<128x128xi1>, vector<128x128xf32>
    %add3A_846 = arith.addf %select_n3A_838, %select_n3A_845 : vector<128x128xf32>
    %swap3A_847 = arith.constant 27 : index
    %swap3A_848 = arith.constant 0 : index
    %swap3A_849 = arith.constant 0 : index
    %swap3A_850 = vector.load %arg3[%swap3A_847, %swap3A_848, %swap3A_849] : memref<33x128x128xf32, #tpu.memory_space<vmem>>, vector<1x128x128xf32>
    %swap3A_851 = vector.shape_cast %swap3A_850 : vector<1x128x128xf32> to vector<128x128xf32>
    %swap3A_852 = vector.shape_cast %add3A_846 : vector<128x128xf32> to vector<1x128x128xf32>
    tpu.vector_store %arg3[%swap3A_847, %swap3A_848, %swap3A_849], %swap3A_852 {strides = array<i32>} : memref<33x128x128xf32, #tpu.memory_space<vmem>>, vector<1x128x128xf32>,
    %ge3A_853 = arith.constant 12 : i32
    %ge3A_854 = vector.broadcast %ge3A_853 : i32 to vector<1x128xi32>
    %ge3A_855 = arith.cmpi sge, %min3A_16, %ge3A_854 : vector<1x128xi32>
    %slice3A_856 = vector.extract_strided_slice %dot_general3A_7 {offsets = [1536, 0], sizes = [128, 128], strides = [1, 1]} : vector<2176x128xf32> to vector<128x128xf32>
    %broadcast_in_dim3A_857 = vector.shape_cast %ge3A_855 : vector<1x128xi1> to vector<1x128xi1>
    %broadcast_in_dim3A_858 = vector.broadcast %broadcast_in_dim3A_857 : vector<1x128xi1> to vector<128x128xi1>
    %select_n3A_859 = arith.select %broadcast_in_dim3A_858, %slice3A_856, %select_n3A_128 : vector<128x128xi1>, vector<128x128xf32>
    %ge3A_860 = arith.constant 0 : i32
    %ge3A_861 = vector.broadcast %ge3A_860 : i32 to vector<1x128xi32>
    %ge3A_862 = arith.cmpi sge, %min3A_154, %ge3A_861 : vector<1x128xi32>
    %slice3A_863 = vector.extract_strided_slice %dot_general3A_136 {offsets = [0, 0], sizes = [128, 128], strides = [1, 1]} : vector<2176x128xf32> to vector<128x128xf32>
    %broadcast_in_dim3A_864 = vector.shape_cast %ge3A_862 : vector<1x128xi1> to vector<1x128xi1>
    %broadcast_in_dim3A_865 = vector.broadcast %broadcast_in_dim3A_864 : vector<1x128xi1> to vector<128x128xi1>
    %select_n3A_866 = arith.select %broadcast_in_dim3A_865, %slice3A_863, %select_n3A_267 : vector<128x128xi1>, vector<128x128xf32>
    %add3A_867 = arith.addf %select_n3A_859, %select_n3A_866 : vector<128x128xf32>
    %swap3A_868 = arith.constant 28 : index
    %swap3A_869 = arith.constant 0 : index
    %swap3A_870 = arith.constant 0 : index
    %swap3A_871 = vector.load %arg3[%swap3A_868, %swap3A_869, %swap3A_870] : memref<33x128x128xf32, #tpu.memory_space<vmem>>, vector<1x128x128xf32>
    %swap3A_872 = vector.shape_cast %swap3A_871 : vector<1x128x128xf32> to vector<128x128xf32>
    %swap3A_873 = vector.shape_cast %add3A_867 : vector<128x128xf32> to vector<1x128x128xf32>
    tpu.vector_store %arg3[%swap3A_868, %swap3A_869, %swap3A_870], %swap3A_873 {strides = array<i32>} : memref<33x128x128xf32, #tpu.memory_space<vmem>>, vector<1x128x128xf32>,
    %ge3A_874 = arith.constant 13 : i32
    %ge3A_875 = vector.broadcast %ge3A_874 : i32 to vector<1x128xi32>
    %ge3A_876 = arith.cmpi sge, %min3A_16, %ge3A_875 : vector<1x128xi32>
    %slice3A_877 = vector.extract_strided_slice %dot_general3A_7 {offsets = [1664, 0], sizes = [128, 128], strides = [1, 1]} : vector<2176x128xf32> to vector<128x128xf32>
    %broadcast_in_dim3A_878 = vector.shape_cast %ge3A_876 : vector<1x128xi1> to vector<1x128xi1>
    %broadcast_in_dim3A_879 = vector.broadcast %broadcast_in_dim3A_878 : vector<1x128xi1> to vector<128x128xi1>
    %select_n3A_880 = arith.select %broadcast_in_dim3A_879, %slice3A_877, %select_n3A_128 : vector<128x128xi1>, vector<128x128xf32>
    %ge3A_881 = arith.constant 0 : i32
    %ge3A_882 = vector.broadcast %ge3A_881 : i32 to vector<1x128xi32>
    %ge3A_883 = arith.cmpi sge, %min3A_154, %ge3A_882 : vector<1x128xi32>
    %slice3A_884 = vector.extract_strided_slice %dot_general3A_136 {offsets = [0, 0], sizes = [128, 128], strides = [1, 1]} : vector<2176x128xf32> to vector<128x128xf32>
    %broadcast_in_dim3A_885 = vector.shape_cast %ge3A_883 : vector<1x128xi1> to vector<1x128xi1>
    %broadcast_in_dim3A_886 = vector.broadcast %broadcast_in_dim3A_885 : vector<1x128xi1> to vector<128x128xi1>
    %select_n3A_887 = arith.select %broadcast_in_dim3A_886, %slice3A_884, %select_n3A_267 : vector<128x128xi1>, vector<128x128xf32>
    %add3A_888 = arith.addf %select_n3A_880, %select_n3A_887 : vector<128x128xf32>
    %swap3A_889 = arith.constant 29 : index
    %swap3A_890 = arith.constant 0 : index
    %swap3A_891 = arith.constant 0 : index
    %swap3A_892 = vector.load %arg3[%swap3A_889, %swap3A_890, %swap3A_891] : memref<33x128x128xf32, #tpu.memory_space<vmem>>, vector<1x128x128xf32>
    %swap3A_893 = vector.shape_cast %swap3A_892 : vector<1x128x128xf32> to vector<128x128xf32>
    %swap3A_894 = vector.shape_cast %add3A_888 : vector<128x128xf32> to vector<1x128x128xf32>
    tpu.vector_store %arg3[%swap3A_889, %swap3A_890, %swap3A_891], %swap3A_894 {strides = array<i32>} : memref<33x128x128xf32, #tpu.memory_space<vmem>>, vector<1x128x128xf32>,
    %ge3A_895 = arith.constant 14 : i32
    %ge3A_896 = vector.broadcast %ge3A_895 : i32 to vector<1x128xi32>
    %ge3A_897 = arith.cmpi sge, %min3A_16, %ge3A_896 : vector<1x128xi32>
    %slice3A_898 = vector.extract_strided_slice %dot_general3A_7 {offsets = [1792, 0], sizes = [128, 128], strides = [1, 1]} : vector<2176x128xf32> to vector<128x128xf32>
    %broadcast_in_dim3A_899 = vector.shape_cast %ge3A_897 : vector<1x128xi1> to vector<1x128xi1>
    %broadcast_in_dim3A_900 = vector.broadcast %broadcast_in_dim3A_899 : vector<1x128xi1> to vector<128x128xi1>
    %select_n3A_901 = arith.select %broadcast_in_dim3A_900, %slice3A_898, %select_n3A_128 : vector<128x128xi1>, vector<128x128xf32>
    %ge3A_902 = arith.constant 0 : i32
    %ge3A_903 = vector.broadcast %ge3A_902 : i32 to vector<1x128xi32>
    %ge3A_904 = arith.cmpi sge, %min3A_154, %ge3A_903 : vector<1x128xi32>
    %slice3A_905 = vector.extract_strided_slice %dot_general3A_136 {offsets = [0, 0], sizes = [128, 128], strides = [1, 1]} : vector<2176x128xf32> to vector<128x128xf32>
    %broadcast_in_dim3A_906 = vector.shape_cast %ge3A_904 : vector<1x128xi1> to vector<1x128xi1>
    %broadcast_in_dim3A_907 = vector.broadcast %broadcast_in_dim3A_906 : vector<1x128xi1> to vector<128x128xi1>
    %select_n3A_908 = arith.select %broadcast_in_dim3A_907, %slice3A_905, %select_n3A_267 : vector<128x128xi1>, vector<128x128xf32>
    %add3A_909 = arith.addf %select_n3A_901, %select_n3A_908 : vector<128x128xf32>
    %swap3A_910 = arith.constant 30 : index
    %swap3A_911 = arith.constant 0 : index
    %swap3A_912 = arith.constant 0 : index
    %swap3A_913 = vector.load %arg3[%swap3A_910, %swap3A_911, %swap3A_912] : memref<33x128x128xf32, #tpu.memory_space<vmem>>, vector<1x128x128xf32>
    %swap3A_914 = vector.shape_cast %swap3A_913 : vector<1x128x128xf32> to vector<128x128xf32>
    %swap3A_915 = vector.shape_cast %add3A_909 : vector<128x128xf32> to vector<1x128x128xf32>
    tpu.vector_store %arg3[%swap3A_910, %swap3A_911, %swap3A_912], %swap3A_915 {strides = array<i32>} : memref<33x128x128xf32, #tpu.memory_space<vmem>>, vector<1x128x128xf32>,
    %ge3A_916 = arith.constant 15 : i32
    %ge3A_917 = vector.broadcast %ge3A_916 : i32 to vector<1x128xi32>
    %ge3A_918 = arith.cmpi sge, %min3A_16, %ge3A_917 : vector<1x128xi32>
    %slice3A_919 = vector.extract_strided_slice %dot_general3A_7 {offsets = [1920, 0], sizes = [128, 128], strides = [1, 1]} : vector<2176x128xf32> to vector<128x128xf32>
    %broadcast_in_dim3A_920 = vector.shape_cast %ge3A_918 : vector<1x128xi1> to vector<1x128xi1>
    %broadcast_in_dim3A_921 = vector.broadcast %broadcast_in_dim3A_920 : vector<1x128xi1> to vector<128x128xi1>
    %select_n3A_922 = arith.select %broadcast_in_dim3A_921, %slice3A_919, %select_n3A_128 : vector<128x128xi1>, vector<128x128xf32>
    %ge3A_923 = arith.constant 0 : i32
    %ge3A_924 = vector.broadcast %ge3A_923 : i32 to vector<1x128xi32>
    %ge3A_925 = arith.cmpi sge, %min3A_154, %ge3A_924 : vector<1x128xi32>
    %slice3A_926 = vector.extract_strided_slice %dot_general3A_136 {offsets = [0, 0], sizes = [128, 128], strides = [1, 1]} : vector<2176x128xf32> to vector<128x128xf32>
    %broadcast_in_dim3A_927 = vector.shape_cast %ge3A_925 : vector<1x128xi1> to vector<1x128xi1>
    %broadcast_in_dim3A_928 = vector.broadcast %broadcast_in_dim3A_927 : vector<1x128xi1> to vector<128x128xi1>
    %select_n3A_929 = arith.select %broadcast_in_dim3A_928, %slice3A_926, %select_n3A_267 : vector<128x128xi1>, vector<128x128xf32>
    %add3A_930 = arith.addf %select_n3A_922, %select_n3A_929 : vector<128x128xf32>
    %swap3A_931 = arith.constant 31 : index
    %swap3A_932 = arith.constant 0 : index
    %swap3A_933 = arith.constant 0 : index
    %swap3A_934 = vector.load %arg3[%swap3A_931, %swap3A_932, %swap3A_933] : memref<33x128x128xf32, #tpu.memory_space<vmem>>, vector<1x128x128xf32>
    %swap3A_935 = vector.shape_cast %swap3A_934 : vector<1x128x128xf32> to vector<128x128xf32>
    %swap3A_936 = vector.shape_cast %add3A_930 : vector<128x128xf32> to vector<1x128x128xf32>
    tpu.vector_store %arg3[%swap3A_931, %swap3A_932, %swap3A_933], %swap3A_936 {strides = array<i32>} : memref<33x128x128xf32, #tpu.memory_space<vmem>>, vector<1x128x128xf32>,
    %ge3A_937 = arith.constant 16 : i32
    %ge3A_938 = vector.broadcast %ge3A_937 : i32 to vector<1x128xi32>
    %ge3A_939 = arith.cmpi sge, %min3A_16, %ge3A_938 : vector<1x128xi32>
    %slice3A_940 = vector.extract_strided_slice %dot_general3A_7 {offsets = [2048, 0], sizes = [128, 128], strides = [1, 1]} : vector<2176x128xf32> to vector<128x128xf32>
    %broadcast_in_dim3A_941 = vector.shape_cast %ge3A_939 : vector<1x128xi1> to vector<1x128xi1>
    %broadcast_in_dim3A_942 = vector.broadcast %broadcast_in_dim3A_941 : vector<1x128xi1> to vector<128x128xi1>
    %select_n3A_943 = arith.select %broadcast_in_dim3A_942, %slice3A_940, %select_n3A_128 : vector<128x128xi1>, vector<128x128xf32>
    %ge3A_944 = arith.constant 0 : i32
    %ge3A_945 = vector.broadcast %ge3A_944 : i32 to vector<1x128xi32>
    %ge3A_946 = arith.cmpi sge, %min3A_154, %ge3A_945 : vector<1x128xi32>
    %slice3A_947 = vector.extract_strided_slice %dot_general3A_136 {offsets = [0, 0], sizes = [128, 128], strides = [1, 1]} : vector<2176x128xf32> to vector<128x128xf32>
    %broadcast_in_dim3A_948 = vector.shape_cast %ge3A_946 : vector<1x128xi1> to vector<1x128xi1>
    %broadcast_in_dim3A_949 = vector.broadcast %broadcast_in_dim3A_948 : vector<1x128xi1> to vector<128x128xi1>
    %select_n3A_950 = arith.select %broadcast_in_dim3A_949, %slice3A_947, %select_n3A_267 : vector<128x128xi1>, vector<128x128xf32>
    %add3A_951 = arith.addf %select_n3A_943, %select_n3A_950 : vector<128x128xf32>
    %swap3A_952 = arith.constant 32 : index
    %swap3A_953 = arith.constant 0 : index
    %swap3A_954 = arith.constant 0 : index
    %swap3A_955 = vector.load %arg3[%swap3A_952, %swap3A_953, %swap3A_954] : memref<33x128x128xf32, #tpu.memory_space<vmem>>, vector<1x128x128xf32>
    %swap3A_956 = vector.shape_cast %swap3A_955 : vector<1x128x128xf32> to vector<128x128xf32>
    %swap3A_957 = vector.shape_cast %add3A_951 : vector<128x128xf32> to vector<1x128x128xf32>
    tpu.vector_store %arg3[%swap3A_952, %swap3A_953, %swap3A_954], %swap3A_957 {strides = array<i32>} : memref<33x128x128xf32, #tpu.memory_space<vmem>>, vector<1x128x128xf32>,
    return
  }
  func.func @transform_0(%arg0: i32) -> (i32, i32, i32) {
    %c0_i32 = arith.constant 0 : i32
    %c0_i32_0 = arith.constant 0 : i32
    %c0_i32_1 = arith.constant 0 : i32
    return %c0_i32, %c0_i32_0, %arg0 : i32, i32, i32
  }
  func.func @transform_1(%arg0: i32) -> (i32, i32) {
    %c0_i32 = arith.constant 0 : i32
    %c0_i32_0 = arith.constant 0 : i32
    %c0_i32_1 = arith.constant 0 : i32
    return %c0_i32, %c0_i32_0 : i32, i32
  }
  func.func @transform_2(%arg0: i32) -> (i32, i32, i32) {
    %c0_i32 = arith.constant 0 : i32
    %c0_i32_0 = arith.constant 0 : i32
    %c0_i32_1 = arith.constant 0 : i32
    return %c0_i32, %c0_i32_0, %arg0 : i32, i32, i32
  }
}

</mosaic_0001>

<sc_bundles>
// kernel: sparse-core-data-format-call.1.cloned.1.call-start
scs
called_computation.1_lowered:
.L_overlay_start_0:
0x0: {  	s2 =	sld [smem:$0x3FD9]  }
0x1: {  	s3 =	sld [smem:$0x3FFE];
	_ =	sdelay $0x1  }
0x2: {  	s1 =	srdreg.scid  }
0x3: {  	s0 =	sand.u32 $0x1, s1  }
0x4: {  	s18 =	sshll.u32 s0, $0xA;
	s2 =	sadd.s32 s3, s2  }
0x5: {  	s2 =	sadd.s32 s2, s18  }
0x6: {  	[smem:$0x3FC6] =	sst s2  }
0x7: {  	_ = 	snop  }
0x8: {  	s2 =	sld [smem:$0x3FD0];
	(tm) =	ssettm $0x1  }
0x9: {  	s19 =	sld [smem:$0x3FFB];
	_ =	sdelay $0x3  }
0xa: {  	_ =	strace s19  }
0xb: {  	s3 =	sld [smem:$0x3FFC];
	_ =	sdelay $0x3  }
0xc: {  	_ =	strace s3  }
0xd: {  	s3 =	sld [smem:$0x3FFD];
	_ =	sdelay $0x3  }
0xe: {  	_ =	strace s3  }
0xf: {  	_ =	strace $0x8FFFFFFF  }
0x10: {  	s20 =	sld [smem:$0x3FDB];
	_ =	sdelay $0x1  }
0x11: {  	s4 =	simm.s32 $_scs_section_size  }
0x12: {  	s5 =	simm.s32 $_size__tile_overlayer_lowered;
	s6 =	simm.s32 $_tile_overlayer_lowered  }
0x13: {  	s23 =	simm.s32 $0x1BFF;
	s22 =	sshll.u32 s6, $0x1;
	s3 =	sadd.s32 s4, s20  }
0x14: {  	s7 =	simm.s32 $0x0;
	s21 =	sshll.u32 s5, $0x1;
	s5 =	sadd.s32 s22, s3  }
0x15: {  	[timem:s7], [sflag:s23] =	dma.local [hbm:s5], s21  }
0x16: {  	_ =	swait.ge [sflag:s23], s21  }
0x17: {  	s4 =	ssub.s32 $0x0, s21;
	[sflag:s23] =	ssyncset.done $0x0  }
0x18: {  	[sflag:s23] =	ssyncadd.s32 s4;
	_ =	sdelay $0x1  }
0x19: {  	s24 =	simm.s32 $0x1B8B  }
0x1a: {  	_ =	swait.ge [sflag:s24], $0x1  }
0x1b: {  	[sflag:s24] =	ssyncset.done $0x0  }
0x1c: {  	s26 =	simm.s32 $0x1B8E;
	s25 =	sld [smem:$0x3FFE];
	[sflag:s24] =	ssyncadd.s32 $0xFFFFFFFF  }
0x1d: {  	s27 =	simm.s32 $execute0_lowered;
	[smem:$0x3FD2] =	sst s26  }
0x1e: {  	s5 =	sshll.u32 s27, $0x1;
	_ =	strace $0x80000046;
	[dreg:$0x1] =	wrdreg $0xFFFFFFFF  }
0x1f: {  	s28 =	simm.s32 $_size_execute0_lowered;
	s3 =	sadd.s32 s3, s5;
	[dreg:$0x0] =	wrdreg $0x0  }
0x20: {  	s5 =	sshll.u32 s28, $0x1;
	[dreg:$0x2] =	wrdreg s3  }
0x21: {  	[dreg:$0x3] =	wrdreg s5  }
0x22: {  	[dreg:$0x4] =	wrdreg $0xC0  }
0x23: {  	_ =	task [dreg:s7], $0x5FFFF  }
0x24: {  	[dreg:$0x1] =	wrdreg $0xFFFFFFFF  }
0x25: {  	[dreg:$0x0] =	wrdreg $0x60  }
0x26: {  	[dreg:$0x2] =	wrdreg s2  }
0x27: {  	[dreg:$0x3] =	wrdreg s25  }
0x28: {  	[dreg:$0x4] =	wrdreg $0x9  }
0x29: {  	_ =	task.clear_ibuf [dreg:s7], $0x5FFFF;
	_ =	strace $0x90000046  }
0x2a: {  	s29 =	simm.s32 $0x9;
	_ =	strace $0x80000048  }
0x2b: {  	_ =	swait.ge [sflag:s29], $0x1  }
0x2c: {  	[sflag:s29] =	ssyncadd.s32 $0xFFFFFFFF  }
0x2d: {  	_ =	strace $0x90000048  }
0x2e: {  	_ =	sfence  }
0x2f: {  	s30 =	sld [smem:$0x0];
	_ =	sdelay $0x2  }
0x30: {  	s31 =	sshll.u32 s1, $0xD;
	s1 =	sshrl.u32 s1, $0x2  }
0x31: {  	s3 =	sand.u32 $0x4000, s31;
	s1 =	sadd.s32 s1, s30  }
0x32: {  	s0 =	sor.u32 s3, s0;
	s1 =	sshll.u32 s1, $0x11  }
0x33: {  	s0 =	sor.u32 s1, s0  }
0x34: {  	s0 =	sadd.s32 $0x8F2B, s0  }
0x35: {  	[sflag:s0] =	ssyncadd.remote.s32 $0x1  }
0x36: {  	_ =	sfence.sel $0xFFFF  }
0x37: {  	[dreg:$0x0] =	wrdreg $0xFFFFFFFF;
	(pc) =	sbr.abs _section_cstart, $3  }
0x38: {  	[dreg:$0x1] =	wrdreg $0xFFFFFFFF  }
0x39: {  	_ =	task.clear_ibuf [dreg:s7], $0x2FFFF;
	_ =	strace $0x9FFFFFFF  }
0x3a: {  	(tm) =	ssettm $0x7FFFFFFF  }
0x3b: {  	_ =	shalt  }
tec
execute0_lowered:
.L_overlay_start_1:
0x0: {  	(tag) =	ssettag $0x1  }
0x1: {  	s0 =	stileid.u32;
	s1 =	srdreg.scid  }
0x2: {  	s7 =	rddreg [dreg:$0x0];
	s2 =	sshll.u32 s0, $0x6;
	s1 =	sshll.u32 s1, $0xA  }
0x3: {  	s6 =	rddreg [dreg:$0x1];
	s1 =	sor.u32 s2, s1  }
0x4: {  	s5 =	simm.s32 $0x1;
	s31 =	simm.s32 $0x2;
	s2 =	sand.u32 $0x780, s1  }
0x5: {  	s12 =	simm.s32 $0x0;
	s13 =	simm.s32 $0x0;
	s4 =	ssub.s32 $0x800, s2  }
0x6: {  	s11 =	simm.s32 $0x0;
	s1 =	rddreg [dreg:$0x2];
	s3 =	sand.u32 $0x780, s4  }
0x7: {  	_ =	strace $0x80000047;
	s8 =	sshrl.u32 s4, $0xB;
	p0 =	sne.s32 s3, $0x0  }
.Ltmp0:
0x8: {  	s3 =	sand.u32 $0x1, s0;
	s5 =	simm.s32 @!p0 $0x0;
	(pc) =	sbr.rel .LBB1_1-.Ltmp0, $4  }
0x9: {  	s4 =	simm.s32 $0x1;
	s9 =	sxor.u32 $0x11, s3;
	s5 =	sadd.s32 s5, s8  }
0xa: {  	s6 =	sadd.s32 $0xA00, s6;
	[sflag:s4] =	ssyncpa.u1 $0x0;
	s5 =	smul.u32 s9, s5  }
0xb: {  	s7 =	sadd.s32 s7, s2;
	[sflag:s31] =	ssyncpa.u1 $0x0;
	p0 =	por $0x0, $0x0  }
0xc: {  	s10 =	smov.u32 s3;
	s9 =	simm.s32 $0x0;
	s8 =	sadd.s32 $0x1, s5  }
.LBB1_4:
0xd: {  	v5 =	vld [tilespmem:s17+$0xFFFFFFD0];
	[tilespmem:s16+$0x2040 ss:$0x81] =	vst.msk $0xffff, v1  }
0xe: {  	v58 =	vld [tilespmem:s17+$0xFFFFFFE0];
	[tilespmem:s16+$0x2850 ss:$0x81] =	vst.msk $0xffff, v2  }
0xf: {  	s18 =	sshra.s32 s18, $0x2;
	v59 =	vld [tilespmem:s17+$0xFFFFFFF0];
	[tilespmem:s16+$0x3060 ss:$0x81] =	vst.msk $0xffff, v3  }
0x10: {  	v60 =	vld [tilespmem:s17+$0x0];
	[tilespmem:s16+$0x0 ss:$0x81] =	vst.msk $0xffff, v0;
	s15 =	sadd.s32 s18, s15  }
0x11: {  	v61 =	vld [tilespmem:s17+$0x10];
	[tilespmem:s15+$0x3870 ss:$0x81] =	vst.msk $0xffff, v4  }
0x12: {  	v62 =	vld [tilespmem:s17+$0x20];
	[tilespmem:s15+$0x810 ss:$0x81] =	vst.msk $0xffff, v5  }
0x13: {  	v63 =	vld [tilespmem:s17+$0xFFFFFFC0];
	[tilespmem:s15+$0x1020 ss:$0x81] =	vst.msk $0xffff, v58  }
0x14: {  	[tilespmem:s15+$0x1830 ss:$0x81] =	vst.msk $0xffff, v59  }
0x15: {  	[tilespmem:s15+$0x2040 ss:$0x81] =	vst.msk $0xffff, v60  }
0x16: {  	s13 =	sshll.u32 s13, $0xF;
	[tilespmem:s15+$0x2850 ss:$0x81] =	vst.msk $0xffff, v61  }
0x17: {  	s12 =	sshll.u32 s12, $0x4;
	s13 =	sadd.s32 s6, s13;
	[tilespmem:s15+$0x3060 ss:$0x81] =	vst.msk $0xffff, v62  }
0x18: {  	s12 =	sadd.s32 s12, s13;
	[tilespmem:s15+$0x0 ss:$0x81] =	vst.msk $0xffff, v63  }
0x19: {  	[hbm4b:s12+s9] =	stream.linear.scatter [tilespmem:s14], [sflag:$0x2], $0x4000, $0x20;
	[tilespmem:$0x10100] =	vst v63  }
.LBB1_5:
0x1a: {  	s14 =	sadd.s32 $0x2, s10  }
0x1b: {  	p2 =	sgt.s32 s14, $0x20  }
0x1c: {  	s14 =	smov.u32 @p2 s3;
	p2 =	sne.s32 s11, s8  }
.Ltmp1:
0x1d: {  	p1 =	slt.u32 s11, $0x2;
	(pc) =	sbr.rel @!p2 .LBB1_6-.Ltmp1, $4  }
0x1e: {  	s12 =	simm.s32 @!p1 $0x2  }
0x1f: {  	s15 =	sadd.s32 $0x1, s11;
	s13 =	smov.u32 s10;
	_ =	swait.ge @!p1 [sflag:s12], $0x4000  }
0x20: {  	p0 =	por !p0, !p0;
	s11 =	smov.u32 s15;
	[sflag:s12] =	ssyncset.done @!p1 $0x0  }
0x21: {  	s10 =	smov.u32 s14;
	[sflag:s12] =	ssyncadd.s32 @!p1 $0xFFFFC000;
	s12 =	smov.u32 s2  }
.LBB1_1:
0x22: {  	p1 =	sge.u32 s11, s5  }
0x23: {  	s31 =	sadd.s32 $0xFFFFFFFF, s11;
	s14 =	sxor.u32 @!p1 $0xFFFFFFFF, s11  }
0x24: {  	s15 =	sshll.u32 @!p1 s10, $0xF;
	s16 =	simm.s32 @!p1 $0x400;
	s14 =	sshll.u32 @!p1 s14, $0xE  }
0x25: {  	s17 =	simm.s32 @!p1 $0x4000;
	s15 =	sadd.s32 @!p1 s15, s7;
	s14 =	sand.u32 @!p1 $0x4000, s14  }
0x26: {  	[tilespmem:s14], [sflag:$0x1] =	stream.strided.gather @!p1 [hbm4b:s15+s16], $0x4000, s17, s16, $0x38;
	[tilespmem:$0x10100] =	vst v63  }
0x27: {  	p1 =	sge.u32 s31, s5  }
.Ltmp2:
0x28: {  	_ = 	snop;
	(pc) =	sbr.rel @p1 .LBB1_5-.Ltmp2, $1  }
0x29: {  	_ =	sdelay $0x3  }
0x2a: {  	s14 =	simm.s32 $0x1  }
0x2b: {  	_ =	swait.ge [sflag:s4], $0x4000;
	s14 =	simm.s32 @!p0 $0x0  }
0x2c: {  	[sflag:s4] =	ssyncset.done $0x0;
	s15 =	sshll.u32 s14, $0xE  }
0x2d: {  	[sflag:s4] =	ssyncadd.s32 $0xFFFFC000;
	s17 =	sor.u32 $0x40, s15  }
0x2e: {  	s14 =	smul.u32 $0x10200, s14;
	v0 =	vld [tilespmem:s17+$0x30]  }
0x2f: {  	v3 =	vld [tilespmem:s17+$0xFFFFFFD0]  }
0x30: {  	s14 =	sshrl.u32 s14, $0x2;
	v4 =	vld [tilespmem:s17+$0xFFFFFFE0]  }
0x31: {  	v5 =	vld [tilespmem:s17+$0xFFFFFFF0];
	s15 =	sor.u32 $0x8000, s14  }
0x32: {  	s31 =	sand.u32 $0x1, s11;
	v1 =	vld [tilespmem:s17+$0x0];
	s16 =	sadd.s32 $0x0, s15  }
0x33: {  	v2 =	vld [tilespmem:s17+$0x10];
	s14 =	smul.u32 $0x10200, s31;
	[tilespmem:s16+$0x3870 ss:$0x81] =	vst.msk $0xffff, v0  }
0x34: {  	[tilespmem:s16+$0x810 ss:$0x81] =	vst.msk $0xffff, v3;
	v3 =	vld [tilespmem:s17+$0x20]  }
0x35: {  	s14 =	sshrl.u32 s14, $0x2;
	v0 =	vld [tilespmem:s17+$0xFFFFFFC0];
	[tilespmem:s16+$0x1020 ss:$0x81] =	vst.msk $0xffff, v4;
	s17 =	sadd.s32 $0x80, s17  }
0x36: {  	s18 =	simm.s32 $0x4;
	s19 =	simm.s32 $0x8;
	s14 =	sor.u32 $0x8000, s14;
	[tilespmem:s16+$0x1830 ss:$0x81] =	vst.msk $0xffff, v5;
	v4 =	vld [tilespmem:s17+$0x30]  }
.LBB1_3:
0x37: {  	p1 =	sne.s32 s19, $0x1FC;
	v5 =	vld [tilespmem:s17+$0xFFFFFFD0];
	[tilespmem:s16+$0x2040 ss:$0x81] =	vst.msk $0xffff, v1  }
0x38: {  	v6 =	vld [tilespmem:s17+$0xFFFFFFE0];
	[tilespmem:s16+$0x2850 ss:$0x81] =	vst.msk $0xffff, v2  }
0x39: {  	s20 =	sshra.s32 s18, $0x2;
	s18 =	smov.u32 s19;
	v7 =	vld [tilespmem:s17+$0xFFFFFFF0];
	[tilespmem:s16+$0x3060 ss:$0x81] =	vst.msk $0xffff, v3  }
.Ltmp3:
0x3a: {  	v1 =	vld [tilespmem:s17+$0x0];
	[tilespmem:s16+$0x0 ss:$0x81] =	vst.msk $0xffff, v0;
	s16 =	sadd.s32 s20, s15;
	(pc) =	sbr.rel @p1 .LBB1_3-.Ltmp3, $4  }
0x3b: {  	v2 =	vld [tilespmem:s17+$0x10];
	[tilespmem:s16+$0x3870 ss:$0x81] =	vst.msk $0xffff, v4  }
0x3c: {  	[tilespmem:s16+$0x810 ss:$0x81] =	vst.msk $0xffff, v5;
	v3 =	vld [tilespmem:s17+$0x20]  }
0x3d: {  	v0 =	vld [tilespmem:s17+$0xFFFFFFC0];
	[tilespmem:s16+$0x1020 ss:$0x81] =	vst.msk $0xffff, v6;
	s17 =	sadd.s32 $0x80, s17  }
0x3e: {  	s19 =	sadd.s32 $0x4, s19;
	v4 =	vld [tilespmem:s17+$0x30];
	[tilespmem:s16+$0x1830 ss:$0x81] =	vst.msk $0xffff, v7  }
.Ltmp4:
0x3f: {  	_ = 	snop;
	(pc) =	sbr.rel .LBB1_4-.Ltmp4, $1  }
0x40: {  	_ =	sdelay $0x3  }
.LBB1_6:
0x41: {  	_ =	sfence.sel $0x180000  }
0x42: {  	s2 =	simm.s32 $0x1;
	[bflag:$0x0] =	sbarrier.arrive $0xFFFF  }
0x43: {  	s31 =	simm.s32 $0x2;
	[sflag:s2] =	ssyncpa.u1 $0x1  }
0x44: {  	[sflag:s31] =	ssyncpa.u1 $0x1  }
0x45: {  	p0 =	sne.s32 s0, $0x0;
	_ =	strace $0x90000047  }
0x46: {  	s0 =	sadd.s32 @!p0 $0x100000, s1;
	[bflag:$0x2] =	sbarrier.arrive $0xFFFF  }
0x47: {  	[sflag:s0] =	ssyncadd.tile.s32 @!p0 $0x1;
	_ =	shalt  }
.Lfunc_end1:
_tile_overlayer_lowered:
.L_overlay_start_2:
0x48: {  	(tag) =	ssettag $0x2  }
0x49: {  	s0 =	rddreg [dreg:$0x0];
	s2 =	stileid.u32  }
0x4a: {  	s1 =	rddreg [dreg:$0x1];
	p0 =	sne.s32 s2, $0x0  }
0x4b: {  	s3 =	rddreg [dreg:$0x2];
	[bflag:$0x3] =	sbarrier.arrive $0xFFFF;
	s2 =	simm.s32 @!p0 $0x1C01  }
0x4c: {  	[timem:s3], [sflag:s2] =	dma.local @!p0 [hbm:s0], s1  }
0x4d: {  	s0 =	simm.s32 @!p0 $0x1  }
0x4e: {  	_ =	swait.ge @!p0 [sflag:s0], s1  }
0x4f: {  	s1 =	ssub.s32 @!p0 $0x0, s1;
	[sflag:s0] =	ssyncset.done @!p0 $0x0  }
0x50: {  	[sflag:s0] =	ssyncadd.s32 @!p0 s1  }
0x51: {  	[bflag:$0x3] =	sbarrier.arrive $0xFFFF  }
0x52: {  	_ =	shalt  }

// kernel: sparse-core-data-format-call.cloned.1.call-start
scs
called_computation_lowered:
.L_overlay_start_0:
0x0: {  	s2 =	sld [smem:$0x3FD9]  }
0x1: {  	s3 =	sld [smem:$0x3FFE];
	_ =	sdelay $0x1  }
0x2: {  	s1 =	srdreg.scid  }
0x3: {  	s0 =	sand.u32 $0x1, s1  }
0x4: {  	s18 =	sshll.u32 s0, $0xA;
	s2 =	sadd.s32 s3, s2  }
0x5: {  	s2 =	sadd.s32 s2, s18  }
0x6: {  	[smem:$0x3FC6] =	sst s2  }
0x7: {  	_ = 	snop  }
0x8: {  	s2 =	sld [smem:$0x3FD0];
	(tm) =	ssettm $0x1  }
0x9: {  	s19 =	sld [smem:$0x3FFB];
	_ =	sdelay $0x3  }
0xa: {  	_ =	strace s19  }
0xb: {  	s3 =	sld [smem:$0x3FFC];
	_ =	sdelay $0x3  }
0xc: {  	_ =	strace s3  }
0xd: {  	s3 =	sld [smem:$0x3FFD];
	_ =	sdelay $0x3  }
0xe: {  	_ =	strace s3  }
0xf: {  	_ =	strace $0x8FFFFFFF  }
0x10: {  	s20 =	sld [smem:$0x3FDB];
	_ =	sdelay $0x1  }
0x11: {  	s4 =	simm.s32 $_scs_section_size  }
0x12: {  	s5 =	simm.s32 $_size__tile_overlayer_lowered;
	s6 =	simm.s32 $_tile_overlayer_lowered  }
0x13: {  	s23 =	simm.s32 $0x1BFF;
	s22 =	sshll.u32 s6, $0x1;
	s3 =	sadd.s32 s4, s20  }
0x14: {  	s7 =	simm.s32 $0x0;
	s21 =	sshll.u32 s5, $0x1;
	s5 =	sadd.s32 s22, s3  }
0x15: {  	[timem:s7], [sflag:s23] =	dma.local [hbm:s5], s21  }
0x16: {  	_ =	swait.ge [sflag:s23], s21  }
0x17: {  	s4 =	ssub.s32 $0x0, s21;
	[sflag:s23] =	ssyncset.done $0x0  }
0x18: {  	[sflag:s23] =	ssyncadd.s32 s4;
	_ =	sdelay $0x1  }
0x19: {  	s24 =	simm.s32 $0x1B8B  }
0x1a: {  	_ =	swait.ge [sflag:s24], $0x1  }
0x1b: {  	[sflag:s24] =	ssyncset.done $0x0  }
0x1c: {  	s26 =	simm.s32 $0x1B8E;
	s25 =	sld [smem:$0x3FFE];
	[sflag:s24] =	ssyncadd.s32 $0xFFFFFFFF  }
0x1d: {  	s27 =	simm.s32 $execute0_lowered;
	[smem:$0x3FD2] =	sst s26  }
0x1e: {  	s5 =	sshll.u32 s27, $0x1;
	_ =	strace $0x80000049;
	[dreg:$0x1] =	wrdreg $0xFFFFFFFF  }
0x1f: {  	s28 =	simm.s32 $_size_execute0_lowered;
	s3 =	sadd.s32 s3, s5;
	[dreg:$0x0] =	wrdreg $0x0  }
0x20: {  	s5 =	sshll.u32 s28, $0x1;
	[dreg:$0x2] =	wrdreg s3  }
0x21: {  	[dreg:$0x3] =	wrdreg s5  }
0x22: {  	[dreg:$0x4] =	wrdreg $0xC0  }
0x23: {  	_ =	task [dreg:s7], $0x5FFFF  }
0x24: {  	[dreg:$0x1] =	wrdreg $0xFFFFFFFF  }
0x25: {  	[dreg:$0x0] =	wrdreg $0x60  }
0x26: {  	[dreg:$0x2] =	wrdreg s25  }
0x27: {  	[dreg:$0x3] =	wrdreg s2  }
0x28: {  	[dreg:$0x4] =	wrdreg $0x9  }
0x29: {  	_ =	task.clear_ibuf [dreg:s7], $0x5FFFF;
	_ =	strace $0x90000049  }
0x2a: {  	s29 =	simm.s32 $0x9;
	_ =	strace $0x8000004B  }
0x2b: {  	_ =	swait.ge [sflag:s29], $0x1  }
0x2c: {  	[sflag:s29] =	ssyncadd.s32 $0xFFFFFFFF  }
0x2d: {  	_ =	strace $0x9000004B  }
0x2e: {  	_ =	sfence  }
0x2f: {  	s30 =	sld [smem:$0x0];
	_ =	sdelay $0x2  }
0x30: {  	s31 =	sshll.u32 s1, $0xD;
	s1 =	sshrl.u32 s1, $0x2  }
0x31: {  	s3 =	sand.u32 $0x4000, s31;
	s1 =	sadd.s32 s1, s30  }
0x32: {  	s0 =	sor.u32 s3, s0;
	s1 =	sshll.u32 s1, $0x11  }
0x33: {  	s0 =	sor.u32 s1, s0  }
0x34: {  	s0 =	sadd.s32 $0x8F2B, s0  }
0x35: {  	[sflag:s0] =	ssyncadd.remote.s32 $0x1  }
0x36: {  	_ =	sfence.sel $0xFFFF  }
0x37: {  	[dreg:$0x0] =	wrdreg $0xFFFFFFFF;
	(pc) =	sbr.abs _section_cstart, $3  }
0x38: {  	[dreg:$0x1] =	wrdreg $0xFFFFFFFF  }
0x39: {  	_ =	task.clear_ibuf [dreg:s7], $0x2FFFF;
	_ =	strace $0x9FFFFFFF  }
0x3a: {  	(tm) =	ssettm $0x7FFFFFFF  }
0x3b: {  	_ =	shalt  }
tec
execute0_lowered:
.L_overlay_start_1:
0x0: {  	(tag) =	ssettag $0x1  }
0x1: {  	s1 =	srdreg.scid;
	s7 =	rddreg [dreg:$0x0]  }
0x2: {  	s0 =	stileid.u32;
	s3 =	rddreg [dreg:$0x1];
	s1 =	sshll.u32 s1, $0x4  }
0x3: {  	s6 =	simm.s32 $0x1;
	s31 =	simm.s32 $0x2;
	s1 =	sor.u32 s0, s1  }
0x4: {  	s14 =	simm.s32 $0x0;
	s10 =	simm.s32 $0x42000;
	s2 =	sand.u32 $0x1E, s1  }
0x5: {  	s11 =	simm.s32 $0x0;
	s15 =	simm.s32 $0x0;
	s5 =	ssub.s32 $0x20, s2  }
0x6: {  	s13 =	simm.s32 $0x0;
	s1 =	rddreg [dreg:$0x2];
	s4 =	sand.u32 $0x1E, s5  }
0x7: {  	_ =	strace $0x8000004A;
	s5 =	sshrl.u32 s5, $0x5;
	p0 =	sne.s32 s4, $0x0  }
.Ltmp0:
0x8: {  	s4 =	sand.u32 $0x1, s0;
	s6 =	simm.s32 @!p0 $0x0;
	(pc) =	sbr.rel .LBB1_1-.Ltmp0, $4  }
0x9: {  	s9 =	sshll.u32 s2, $0xA;
	s8 =	sxor.u32 $0x11, s4;
	s6 =	sadd.s32 s6, s5  }
0xa: {  	s7 =	sadd.s32 s9, s7;
	s5 =	simm.s32 $0x1;
	s6 =	smul.u32 s8, s6  }
0xb: {  	s9 =	simm.s32 $0x2000;
	s7 =	sadd.s32 $0xA00, s7;
	[sflag:s5] =	ssyncpa.u1 $0x0  }
0xc: {  	s12 =	smov.u32 s4;
	[sflag:s31] =	ssyncpa.u1 $0x0;
	s8 =	sadd.s32 $0x1, s6  }
.LBB1_7:
0xd: {  	s16 =	sadd.s32 $0x2, s12  }
0xe: {  	p1 =	sgt.s32 s16, $0x20  }
0xf: {  	s16 =	smov.u32 @p1 s4;
	p1 =	sne.s32 s13, s8  }
.Ltmp1:
0x10: {  	p0 =	slt.u32 s13, $0x2;
	(pc) =	sbr.rel @!p1 .LBB1_8-.Ltmp1, $4  }
0x11: {  	s14 =	simm.s32 @!p0 $0x2  }
0x12: {  	s17 =	sadd.s32 $0x1, s13;
	s15 =	smov.u32 s12;
	_ =	swait.ge @!p0 [sflag:s14], $0x4000  }
0x13: {  	s11 =	sadd.s32 $0x4000, s11;
	s13 =	smov.u32 s17;
	[sflag:s14] =	ssyncset.done @!p0 $0x0  }
0x14: {  	s12 =	smov.u32 s16;
	[sflag:s14] =	ssyncadd.s32 @!p0 $0xFFFFC000;
	s14 =	smov.u32 s2  }
.LBB1_1:
0x15: {  	p0 =	sge.u32 s13, s6  }
0x16: {  	s16 =	sxor.u32 @!p0 $0xFFFFFFFF, s13  }
0x17: {  	s31 =	sadd.s32 $0xFFFFFFFF, s13;
	s17 =	sshll.u32 @!p0 s12, $0xF;
	s16 =	sshll.u32 @!p0 s16, $0xE  }
0x18: {  	s18 =	simm.s32 @!p0 $0x0;
	s17 =	sadd.s32 @!p0 s17, s7;
	s16 =	sand.u32 @!p0 $0x4000, s16  }
0x19: {  	[tilespmem:s16], [sflag:$0x1] =	stream.linear.gather @!p0 [hbm4b:s17+s18], $0x4000, $0x38;
	[tilespmem:$0x10000] =	vst v63  }
0x1a: {  	p0 =	sge.u32 s31, s6  }
.Ltmp2:
0x1b: {  	_ = 	snop;
	(pc) =	sbr.rel @p0 .LBB1_7-.Ltmp2, $1  }
0x1c: {  	_ =	sdelay $0x3  }
0x1d: {  	s16 =	sshll.u32 s11, $0x2  }
0x1e: {  	_ =	swait.ge [sflag:s5], $0x4000;
	s17 =	sshll.u32 s13, $0xE;
	s19 =	simm.s32 $0x0  }
0x1f: {  	p1 =	por $0x1, $0x1;
	s16 =	sand.u32 $0x10000, s16;
	[sflag:s5] =	ssyncset.done $0x0  }
0x20: {  	s17 =	sand.u32 $0x4000, s17;
	s18 =	sshrl.u32 s16, $0x2;
	[sflag:s5] =	ssyncadd.s32 $0xFFFFC000  }
0x21: {  	s16 =	sor.u32 $0x8000, s17;
	s17 =	sadd.s32 $0x8040, s18;
	s18 =	sadd.s32 $0x40, s18  }
.LBB1_3:
0x22: {  	s19 =	sshll.u32 s19, $0x2  }
0x23: {  	s20 =	sshra.s32 s19, $0x2  }
0x24: {  	s19 =	sadd.s32 s20, s18  }
0x25: {  	v1 =	vmov s19;
	_ =	sdelay $0x3  }
0x26: {  	s19 =	simm.s32 $0x0  }
0x27: {  	s20 =	sadd.s32 s20, s17;
	v7 =	vld.idx.msk [tilespmem:v1+s19+$0x30 ss:$0x1], $0xffff  }
0x28: {  	v0 =	vmov s20;
	v8 =	vld.idx.msk [tilespmem:v1+s19+$0xFFFFFFC0 ss:$0x1], $0xffff  }
0x29: {  	v6 =	vld.idx.msk [tilespmem:v1+s19+$0xFFFFFFD0 ss:$0x1], $0xffff  }
0x2a: {  	v5 =	vld.idx.msk [tilespmem:v1+s19+$0xFFFFFFE0 ss:$0x1], $0xffff  }
0x2b: {  	v4 =	vld.idx.msk [tilespmem:v1+s19+$0xFFFFFFF0 ss:$0x1], $0xffff  }
0x2c: {  	v2 =	vld.idx.msk [tilespmem:v1+s19+$0x0 ss:$0x1], $0xffff  }
0x2d: {  	v3 =	vld.idx.msk [tilespmem:v1+s19+$0x10 ss:$0x1], $0xffff;
	[tilespmem:v0+s19+$0x30 ss:$0x1] =	vst.idx.msk $0xffff, v7  }
0x2e: {  	p0 =	por p1, p1;
	s21 =	simm.s32 $0x400;
	s20 =	simm.s32 $0x80;
	[tilespmem:v0+s19+$0xFFFFFFC0 ss:$0x1] =	vst.idx.msk $0xffff, v8;
	v7 =	vld.idx.msk [tilespmem:v1+s19+$0x20 ss:$0x1], $0xffff  }
.LBB1_4:
0x2f: {  	p1 =	sne.s32 s21, $0x7E00;
	v8 =	vld.idx.msk [tilespmem:v1+s20+$0x30 ss:$0x1], $0xffff;
	[tilespmem:v0+s19+$0xFFFFFFD0 ss:$0x1] =	vst.idx.msk $0xffff, v6  }
0x30: {  	v9 =	vld.idx.msk [tilespmem:v1+s20+$0xFFFFFFC0 ss:$0x1], $0xffff;
	[tilespmem:v0+s19+$0xFFFFFFE0 ss:$0x1] =	vst.idx.msk $0xffff, v5  }
0x31: {  	v6 =	vld.idx.msk [tilespmem:v1+s20+$0xFFFFFFD0 ss:$0x1], $0xffff;
	[tilespmem:v0+s19+$0xFFFFFFF0 ss:$0x1] =	vst.idx.msk $0xffff, v4  }
.Ltmp3:
0x32: {  	v5 =	vld.idx.msk [tilespmem:v1+s20+$0xFFFFFFE0 ss:$0x1], $0xffff;
	[tilespmem:v0+s19+$0x0 ss:$0x1] =	vst.idx.msk $0xffff, v2;
	(pc) =	sbr.rel @p1 .LBB1_4-.Ltmp3, $4  }
0x33: {  	v4 =	vld.idx.msk [tilespmem:v1+s20+$0xFFFFFFF0 ss:$0x1], $0xffff;
	[tilespmem:v0+s19+$0x10 ss:$0x1] =	vst.idx.msk $0xffff, v3  }
0x34: {  	v2 =	vld.idx.msk [tilespmem:v1+s20+$0x0 ss:$0x1], $0xffff;
	[tilespmem:v0+s19+$0x20 ss:$0x1] =	vst.idx.msk $0xffff, v7;
	s19 =	smov.u32 s20  }
0x35: {  	v3 =	vld.idx.msk [tilespmem:v1+s19+$0x10 ss:$0x1], $0xffff;
	[tilespmem:v0+s19+$0x30 ss:$0x1] =	vst.idx.msk $0xffff, v8  }
0x36: {  	s20 =	sshra.s32 s21, $0x2;
	s21 =	sadd.s32 $0x200, s21;
	[tilespmem:v0+s19+$0xFFFFFFC0 ss:$0x1] =	vst.idx.msk $0xffff, v9;
	v7 =	vld.idx.msk [tilespmem:v1+s19+$0x20 ss:$0x1], $0xffff  }
0x37: {  	_ =	sdelay $0x3  }
0x38: {  	[tilespmem:v0+s19+$0xFFFFFFD0 ss:$0x1] =	vst.idx.msk $0xffff, v6  }
0x39: {  	v56 =	vld.idx.msk [tilespmem:v1+s20+$0x30 ss:$0x1], $0xffff;
	[tilespmem:v0+s19+$0xFFFFFFE0 ss:$0x1] =	vst.idx.msk $0xffff, v5  }
0x3a: {  	v57 =	vld.idx.msk [tilespmem:v1+s20+$0xFFFFFFC0 ss:$0x1], $0xffff;
	[tilespmem:v0+s19+$0xFFFFFFF0 ss:$0x1] =	vst.idx.msk $0xffff, v4  }
0x3b: {  	v58 =	vld.idx.msk [tilespmem:v1+s20+$0xFFFFFFD0 ss:$0x1], $0xffff;
	[tilespmem:v0+s19+$0x0 ss:$0x1] =	vst.idx.msk $0xffff, v2  }
0x3c: {  	v59 =	vld.idx.msk [tilespmem:v1+s20+$0xFFFFFFE0 ss:$0x1], $0xffff;
	[tilespmem:v0+s19+$0x10 ss:$0x1] =	vst.idx.msk $0xffff, v3  }
0x3d: {  	v60 =	vld.idx.msk [tilespmem:v1+s20+$0xFFFFFFF0 ss:$0x1], $0xffff;
	[tilespmem:v0+s19+$0x20 ss:$0x1] =	vst.idx.msk $0xffff, v7  }
0x3e: {  	v61 =	vld.idx.msk [tilespmem:v1+s20+$0x0 ss:$0x1], $0xffff;
	[tilespmem:v0+s20+$0x30 ss:$0x1] =	vst.idx.msk $0xffff, v56  }
0x3f: {  	v62 =	vld.idx.msk [tilespmem:v1+s20+$0x10 ss:$0x1], $0xffff;
	[tilespmem:v0+s20+$0xFFFFFFC0 ss:$0x1] =	vst.idx.msk $0xffff, v57  }
0x40: {  	v63 =	vld.idx.msk [tilespmem:v1+s20+$0x20 ss:$0x1], $0xffff;
	[tilespmem:v0+s20+$0xFFFFFFD0 ss:$0x1] =	vst.idx.msk $0xffff, v58  }
.Ltmp4:
0x41: {  	[tilespmem:v0+s20+$0xFFFFFFE0 ss:$0x1] =	vst.idx.msk $0xffff, v59;
	(pc) =	sbr.rel @p0 .LBB1_3-.Ltmp4, $4  }
0x42: {  	[tilespmem:v0+s20+$0xFFFFFFF0 ss:$0x1] =	vst.idx.msk $0xffff, v60  }
0x43: {  	[tilespmem:v0+s20+$0x0 ss:$0x1] =	vst.idx.msk $0xffff, v61  }
0x44: {  	[tilespmem:v0+s20+$0x10 ss:$0x1] =	vst.idx.msk $0xffff, v62  }
0x45: {  	p1 =	por $0x0, $0x0;
	s19 =	simm.s32 $0x2000;
	[tilespmem:v0+s20+$0x20 ss:$0x1] =	vst.idx.msk $0xffff, v63  }
.Ltmp5:
0x46: {  	(pc) =	sbr.rel .LBB1_7-.Ltmp5, $4  }
0x47: {  	s14 =	smul.u32 $0x8400, s14;
	s15 =	sshll.u32 s15, $0xA  }
0x48: {  	s15 =	sadd.s32 s3, s15  }
0x49: {  	s14 =	sadd.s32 s14, s15  }
0x4a: {  	[hbm4b:s14+s9] =	stream.strided.scatter [tilespmem:s16], [sflag:$0x2], $0x4000, s10, s9, $0x38;
	[tilespmem:$0x10000] =	vst v63  }
.LBB1_8:
0x4b: {  	_ =	sfence.sel $0x180000  }
0x4c: {  	s2 =	simm.s32 $0x1;
	[bflag:$0x0] =	sbarrier.arrive $0xFFFF  }
0x4d: {  	s31 =	simm.s32 $0x2;
	[sflag:s2] =	ssyncpa.u1 $0x1  }
0x4e: {  	[sflag:s31] =	ssyncpa.u1 $0x1  }
0x4f: {  	p0 =	sne.s32 s0, $0x0;
	_ =	strace $0x9000004A  }
0x50: {  	s0 =	sadd.s32 @!p0 $0x100000, s1;
	[bflag:$0x2] =	sbarrier.arrive $0xFFFF  }
0x51: {  	[sflag:s0] =	ssyncadd.tile.s32 @!p0 $0x1;
	_ =	shalt  }
.Lfunc_end1:
_tile_overlayer_lowered:
.L_overlay_start_2:
0x52: {  	(tag) =	ssettag $0x2  }
0x53: {  	s0 =	rddreg [dreg:$0x0];
	s2 =	stileid.u32  }
0x54: {  	s1 =	rddreg [dreg:$0x1];
	p0 =	sne.s32 s2, $0x0  }
0x55: {  	s3 =	rddreg [dreg:$0x2];
	[bflag:$0x3] =	sbarrier.arrive $0xFFFF;
	s2 =	simm.s32 @!p0 $0x1C01  }
0x56: {  	[timem:s3], [sflag:s2] =	dma.local @!p0 [hbm:s0], s1  }
0x57: {  	s0 =	simm.s32 @!p0 $0x1  }
0x58: {  	_ =	swait.ge @!p0 [sflag:s0], s1  }
0x59: {  	s1 =	ssub.s32 @!p0 $0x0, s1;
	[sflag:s0] =	ssyncset.done @!p0 $0x0  }
0x5a: {  	[sflag:s0] =	ssyncadd.s32 @!p0 s1  }
0x5b: {  	[bflag:$0x3] =	sbarrier.arrive $0xFFFF  }
0x5c: {  	_ =	shalt  }

</sc_bundles>
